<compile_context>
chip_gen: v7x
topology: tpu7x:2x2x1
jax: 0.10.2.dev20260603
libtpu: 0.0.44.dev20260713+nightly
codegen_flags: <defaults>
</compile_context>

<pallas_src>
import jax
import jax.numpy as jnp
from jax import lax
from jax.experimental import pallas as pl
from jax.experimental.pallas import tpu as pltpu
from jax.experimental.pallas import tpu_sc as plsc

_GAMMA = 12.0
_HIDDEN = 128
_BATCH = 16384
_NC = 2
_NS = 16
_NW = _NC * _NS
_ROWS_PER_W = _BATCH // _NW
_CHUNK = 64
_NCHUNK = _ROWS_PER_W // _CHUNK
_ROW_UNROLL = 4


def _sc_body(head_hbm, rel_hbm, tail_hbm, ent_hbm, reltab_hbm, out_hbm,
             idx_h, idx_r, idx_t, hr3, t2, out_v, semh, semr, semt, semi):
    wid = lax.axis_index("s") * _NC + lax.axis_index("c")
    wbase = pl.multiple_of(wid * _ROWS_PER_W, _ROWS_PER_W)
    lane = lax.iota(jnp.int32, 16)

    icp0 = pltpu.async_copy(head_hbm.at[pl.ds(wbase, _ROWS_PER_W)], idx_h,
                            semi.at[0])
    icp1 = pltpu.async_copy(rel_hbm.at[pl.ds(wbase, _ROWS_PER_W)], idx_r,
                            semi.at[1])
    icp2 = pltpu.async_copy(tail_hbm.at[pl.ds(wbase, _ROWS_PER_W)], idx_t,
                            semi.at[2])

    def h_desc(c):
        p = lax.rem(c, 3)
        sl = pl.ds(pl.multiple_of(c * _CHUNK, _CHUNK), _CHUNK)
        return pltpu.make_async_copy(ent_hbm.at[idx_h.at[sl]], hr3.at[p],
                                     semh.at[p])

    def r_desc(c):
        p = lax.rem(c, 3)
        sl = pl.ds(pl.multiple_of(c * _CHUNK, _CHUNK), _CHUNK)
        return pltpu.make_async_copy(reltab_hbm.at[idx_r.at[sl]], hr3.at[p],
                                     semr.at[p])

    def t_desc(c):
        p = lax.rem(c, 2)
        sl = pl.ds(pl.multiple_of(c * _CHUNK, _CHUNK), _CHUNK)
        return pltpu.make_async_copy(ent_hbm.at[idx_t.at[sl]], t2.at[p],
                                     semt.at[p])

    def launch_r(c):
        p = lax.rem(c, 3)
        sl = pl.ds(pl.multiple_of(c * _CHUNK, _CHUNK), _CHUNK)
        pltpu.async_copy(reltab_hbm.at[idx_r.at[sl]], hr3.at[p], semr.at[p],
                         add=True)

    icp0.wait()
    for c in range(min(3, _NCHUNK)):
        h_desc(jnp.int32(c)).start()
    icp2.wait()
    for c in range(min(2, _NCHUNK)):
        t_desc(jnp.int32(c)).start()
    icp1.wait()
    h_desc(jnp.int32(0)).wait()
    launch_r(jnp.int32(0))

    def chunk_body(c, _):
        @pl.when(c + 1 < _NCHUNK)
        def _():
            h_desc(c + 1).wait()
            launch_r(c + 1)

        r_desc(c).wait()
        t_desc(c).wait()
        cp3 = lax.rem(c, 3)
        cp2 = lax.rem(c, 2)

        def group_body(g, _):
            def row_body(q, v):
                for u in range(_ROW_UNROLL):
                    rr = q * _ROW_UNROLL + u
                    row = g * 16 + rr
                    acc = jnp.zeros((16,), jnp.float32)
                    for k in range(_HIDDEN // 16):
                        sl = pl.ds(k * 16, 16)
                        acc = acc + jnp.abs(hr3[cp3, row, sl] -
                                            t2[cp2, row, sl])
                    s = _GAMMA - jnp.sum(acc)
                    v = jnp.where(lane == rr, s, v)
                return v

            v = lax.fori_loop(0, 16 // _ROW_UNROLL, row_body,
                              jnp.zeros((16,), jnp.float32))
            off = pl.multiple_of(c * _CHUNK + g * 16, 16)
            out_v[pl.ds(off, 16)] = v
            return 0

        lax.fori_loop(0, _CHUNK // 16, group_body, 0)

        @pl.when(c + 3 < _NCHUNK)
        def _():
            h_desc(c + 3).start()

        @pl.when(c + 2 < _NCHUNK)
        def _():
            t_desc(c + 2).start()

        return 0

    lax.fori_loop(0, _NCHUNK, chunk_body, 0)
    pltpu.sync_copy(out_v, out_hbm.at[pl.ds(wbase, _ROWS_PER_W)])


@jax.jit
def _run(head_idx, rel_idx, tail_idx, entity_embedding, relation_embedding):
    mesh = plsc.VectorSubcoreMesh(core_axis_name="c", subcore_axis_name="s")
    f = pl.kernel(
        _sc_body,
        out_type=jax.ShapeDtypeStruct((_BATCH,), jnp.float32),
        mesh=mesh,
        compiler_params=pltpu.CompilerParams(needs_layout_passes=False),
        scratch_types=[
            pltpu.VMEM((_ROWS_PER_W,), jnp.int32),
            pltpu.VMEM((_ROWS_PER_W,), jnp.int32),
            pltpu.VMEM((_ROWS_PER_W,), jnp.int32),
            pltpu.VMEM((3, _CHUNK, _HIDDEN), jnp.float32),
            pltpu.VMEM((2, _CHUNK, _HIDDEN), jnp.float32),
            pltpu.VMEM((_ROWS_PER_W,), jnp.float32),
            pltpu.SemaphoreType.DMA((3,)),
            pltpu.SemaphoreType.DMA((3,)),
            pltpu.SemaphoreType.DMA((2,)),
            pltpu.SemaphoreType.DMA((3,)),
        ],
    )
    return f(head_idx, rel_idx, tail_idx, entity_embedding,
             relation_embedding)


def kernel(sample, entity_embedding, relation_embedding):
    out = _run(sample[:, 0], sample[:, 1], sample[:, 2], entity_embedding,
               relation_embedding)
    return out[:, None]

# --- scband reference (transcript-rebuilt; emitter-appended) ---
"""Pipeline reference for scband-kgemodel-48782238548195 (READ-ONLY COPY).

The authoritative reference and input builder live on the scoring server;
editing this copy changes nothing except your own understanding.
"""

import jax, jax.numpy as jnp
import numpy as np

NENTITY = 1000000
NRELATION = 1000
HIDDEN = 128
GAMMA = 12.0
EPSILON = 2.0
EMB_RANGE = (GAMMA + EPSILON) / HIDDEN
BATCH = 16384


def setup_inputs(seed: int = 0) -> dict:
    key = jax.random.key(seed)
    k1, k2, k3, k4, k5 = jax.random.split(key, 5)
    heads = jax.random.randint(k1, (BATCH,), 0, NENTITY, dtype=jnp.int32)
    rels = jax.random.randint(k2, (BATCH,), 0, NRELATION, dtype=jnp.int32)
    tails = jax.random.randint(k3, (BATCH,), 0, NENTITY, dtype=jnp.int32)
    sample = jnp.stack([heads, rels, tails], axis=1)
    entity_embedding = jax.random.uniform(
        k4, (NENTITY, HIDDEN), minval=-EMB_RANGE, maxval=EMB_RANGE, dtype=jnp.float32)
    relation_embedding = jax.random.uniform(
        k5, (NRELATION, HIDDEN), minval=-EMB_RANGE, maxval=EMB_RANGE, dtype=jnp.float32)
    return {
        "sample": sample,
        "entity_embedding": entity_embedding,
        "relation_embedding": relation_embedding,
    }


def reference(sample, entity_embedding, relation_embedding):
    # 'single' mode: gather head / relation / tail rows, unsqueeze(1)
    head = jnp.take(entity_embedding, sample[:, 0], axis=0)[:, None, :]
    relation = jnp.take(relation_embedding, sample[:, 1], axis=0)[:, None, :]
    tail = jnp.take(entity_embedding, sample[:, 2], axis=0)[:, None, :]
    # TransE score: gamma - || h + r - t ||_1  (per the standard RotatE-codebase TransE)
    score = head + (relation - tail)
    score = GAMMA - jnp.sum(jnp.abs(score), axis=2)
    return score  # [BATCH, 1]

if __name__ == "__main__":
    import jax
    _d = setup_inputs()
    print(jax.jit(kernel)(*tuple(_d.values())))

</pallas_src>

<mosaic_0001>
#map = affine_map<(d0, d1) -> (0)>
#map1 = affine_map<(d0, d1) -> (0, 0)>
module attributes {stable_mosaic.version = 14 : i64} {
  func.func @_sc_body(%arg0: i32, %arg1: i32, %arg2: memref<16384xi32, #tpu.memory_space<hbm>>, %arg3: memref<16384xi32, #tpu.memory_space<hbm>>, %arg4: memref<16384xi32, #tpu.memory_space<hbm>>, %arg5: memref<1000000x128xf32, #tpu.memory_space<hbm>>, %arg6: memref<1000x128xf32, #tpu.memory_space<hbm>>, %arg7: memref<16384xf32, #tpu.memory_space<hbm>>, %arg8: memref<512xi32, #tpu.memory_space<vmem>>, %arg9: memref<512xi32, #tpu.memory_space<vmem>>, %arg10: memref<512xi32, #tpu.memory_space<vmem>>, %arg11: memref<3x64x128xf32, #tpu.memory_space<vmem>>, %arg12: memref<2x64x128xf32, #tpu.memory_space<vmem>>, %arg13: memref<512xf32, #tpu.memory_space<vmem>>, %arg14: memref<3x!tpu.dma_semaphore, #tpu.memory_space<semaphore_mem>>, %arg15: memref<3x!tpu.dma_semaphore, #tpu.memory_space<semaphore_mem>>, %arg16: memref<2x!tpu.dma_semaphore, #tpu.memory_space<semaphore_mem>>, %arg17: memref<3x!tpu.dma_semaphore, #tpu.memory_space<semaphore_mem>>) attributes {dimension_semantics = [#tpu.dimension_semantics<core_parallel>, #tpu.dimension_semantics<subcore_parallel>], iteration_bounds = array<i64: 2, 16>, scalar_prefetch = 0 : i64, scratch_operands = 10 : i64, tpu.core_type = #tpu.core_type<sc_vector_subcore>, window_params = [{transform_indices = #map}, {transform_indices = #map}, {transform_indices = #map}, {transform_indices = #map1}, {transform_indices = #map1}, {transform_indices = #map}]} {
    %mul3A = arith.constant 2 : i32
    %mul3A_0 = arith.muli %arg1, %mul3A : i32
    %add3A = arith.addi %mul3A_0, %arg0 : i32
    %mul3A_1 = arith.constant 512 : i32
    %mul3A_2 = arith.muli %add3A, %mul3A_1 : i32
    %multiple_of3A = tpu.assume_multiple %mul3A_2, 512 : i32
    %iota3A = tpu.iota {dimensions = array<i32: 0>} : vector<16xi32>
    %dma_start3A = arith.constant 0 : i32
    %dma_start3A_3 = tpu.memref_slice %arg2[%multiple_of3A] : memref<16384xi32, #tpu.memory_space<hbm>> -> memref<512xi32, #tpu.memory_space<hbm>>
    %dma_start3A_4 = tpu.memref_slice %arg17[%dma_start3A] : memref<3x!tpu.dma_semaphore, #tpu.memory_space<semaphore_mem>> -> memref<1x!tpu.dma_semaphore, #tpu.memory_space<semaphore_mem>>
    %dma_start3A_5 = tpu.memref_squeeze %dma_start3A_4 : memref<1x!tpu.dma_semaphore, #tpu.memory_space<semaphore_mem>> -> memref<!tpu.dma_semaphore, #tpu.memory_space<semaphore_mem>>
    %dma_start3A_6 = tpu.memref_slice %arg2[%multiple_of3A] : memref<16384xi32, #tpu.memory_space<hbm>> -> memref<512xi32, #tpu.memory_space<hbm>>
    tpu.enqueue_dma source(%dma_start3A_6 : memref<512xi32, #tpu.memory_space<hbm>>) target(%arg8 : memref<512xi32, #tpu.memory_space<vmem>>) target_semaphore(%dma_start3A_5 : memref<!tpu.dma_semaphore, #tpu.memory_space<semaphore_mem>>)
    %dma_start3A_7 = arith.constant 1 : i32
    %dma_start3A_8 = tpu.memref_slice %arg3[%multiple_of3A] : memref<16384xi32, #tpu.memory_space<hbm>> -> memref<512xi32, #tpu.memory_space<hbm>>
    %dma_start3A_9 = tpu.memref_slice %arg17[%dma_start3A_7] : memref<3x!tpu.dma_semaphore, #tpu.memory_space<semaphore_mem>> -> memref<1x!tpu.dma_semaphore, #tpu.memory_space<semaphore_mem>>
    %dma_start3A_10 = tpu.memref_squeeze %dma_start3A_9 : memref<1x!tpu.dma_semaphore, #tpu.memory_space<semaphore_mem>> -> memref<!tpu.dma_semaphore, #tpu.memory_space<semaphore_mem>>
    %dma_start3A_11 = tpu.memref_slice %arg3[%multiple_of3A] : memref<16384xi32, #tpu.memory_space<hbm>> -> memref<512xi32, #tpu.memory_space<hbm>>
    tpu.enqueue_dma source(%dma_start3A_11 : memref<512xi32, #tpu.memory_space<hbm>>) target(%arg9 : memref<512xi32, #tpu.memory_space<vmem>>) target_semaphore(%dma_start3A_10 : memref<!tpu.dma_semaphore, #tpu.memory_space<semaphore_mem>>)
    %dma_start3A_12 = arith.constant 2 : i32
    %dma_start3A_13 = tpu.memref_slice %arg4[%multiple_of3A] : memref<16384xi32, #tpu.memory_space<hbm>> -> memref<512xi32, #tpu.memory_space<hbm>>
    %dma_start3A_14 = tpu.memref_slice %arg17[%dma_start3A_12] : memref<3x!tpu.dma_semaphore, #tpu.memory_space<semaphore_mem>> -> memref<1x!tpu.dma_semaphore, #tpu.memory_space<semaphore_mem>>
    %dma_start3A_15 = tpu.memref_squeeze %dma_start3A_14 : memref<1x!tpu.dma_semaphore, #tpu.memory_space<semaphore_mem>> -> memref<!tpu.dma_semaphore, #tpu.memory_space<semaphore_mem>>
    %dma_start3A_16 = tpu.memref_slice %arg4[%multiple_of3A] : memref<16384xi32, #tpu.memory_space<hbm>> -> memref<512xi32, #tpu.memory_space<hbm>>
    tpu.enqueue_dma source(%dma_start3A_16 : memref<512xi32, #tpu.memory_space<hbm>>) target(%arg10 : memref<512xi32, #tpu.memory_space<vmem>>) target_semaphore(%dma_start3A_15 : memref<!tpu.dma_semaphore, #tpu.memory_space<semaphore_mem>>)
    %dma_wait3A = arith.constant 0 : i32
    %dma_wait3A_17 = tpu.memref_slice %arg2[%multiple_of3A] : memref<16384xi32, #tpu.memory_space<hbm>> -> memref<512xi32, #tpu.memory_space<hbm>>
    %dma_wait3A_18 = tpu.memref_slice %arg17[%dma_wait3A] : memref<3x!tpu.dma_semaphore, #tpu.memory_space<semaphore_mem>> -> memref<1x!tpu.dma_semaphore, #tpu.memory_space<semaphore_mem>>
    %dma_wait3A_19 = tpu.memref_squeeze %dma_wait3A_18 : memref<1x!tpu.dma_semaphore, #tpu.memory_space<semaphore_mem>> -> memref<!tpu.dma_semaphore, #tpu.memory_space<semaphore_mem>>
    %dma_wait3A_20 = tpu.memref_slice %arg2[%multiple_of3A] : memref<16384xi32, #tpu.memory_space<hbm>> -> memref<512xi32, #tpu.memory_space<hbm>>
    tpu.wait_dma2 semaphore(%dma_wait3A_19 : memref<!tpu.dma_semaphore, #tpu.memory_space<semaphore_mem>>) src(%dma_wait3A_20 : memref<512xi32, #tpu.memory_space<hbm>>) dst(%arg8 : memref<512xi32, #tpu.memory_space<vmem>>)
    %rem3A = arith.constant 0 : i32
    %rem3A_21 = arith.constant 3 : i32
    %rem3A_22 = arith.remsi %rem3A, %rem3A_21 : i32
    %mul3A_23 = arith.constant 0 : i32
    %mul3A_24 = arith.constant 64 : i32
    %mul3A_25 = arith.muli %mul3A_23, %mul3A_24 : i32
    %multiple_of3A_26 = tpu.assume_multiple %mul3A_25, 64 : i32
    %dma_start3A_27 = arith.constant 0 : i32
    %dma_start3A_28 = arith.constant 0 : i32
    %dma_start3A_29 = tpu.memref_slice %arg11[%rem3A_22, %dma_start3A_27, %dma_start3A_28] : memref<3x64x128xf32, #tpu.memory_space<vmem>> -> memref<1x64x128xf32, #tpu.memory_space<vmem>>
    %dma_start3A_30 = tpu.memref_squeeze %dma_start3A_29 : memref<1x64x128xf32, #tpu.memory_space<vmem>> -> memref<64x128xf32, #tpu.memory_space<vmem>>
    %dma_start3A_31 = tpu.memref_slice %arg8[%multiple_of3A_26] : memref<512xi32, #tpu.memory_space<vmem>> -> memref<64xi32, #tpu.memory_space<vmem>>
    %dma_start3A_32 = arith.constant 0 : i32
    %dma_start3A_33 = arith.constant 0 : i32
    %dma_start3A_34 = tpu.memref_slice %arg5[%dma_start3A_32, %dma_start3A_33] : memref<1000000x128xf32, #tpu.memory_space<hbm>> -> memref<1000000x128xf32, #tpu.memory_space<hbm>>
    %dma_start3A_35 = tpu.memref_slice %arg14[%rem3A_22] : memref<3x!tpu.dma_semaphore, #tpu.memory_space<semaphore_mem>> -> memref<1x!tpu.dma_semaphore, #tpu.memory_space<semaphore_mem>>
    %dma_start3A_36 = tpu.memref_squeeze %dma_start3A_35 : memref<1x!tpu.dma_semaphore, #tpu.memory_space<semaphore_mem>> -> memref<!tpu.dma_semaphore, #tpu.memory_space<semaphore_mem>>
    tpu.enqueue_indirect_dma source(%dma_start3A_34 : memref<1000000x128xf32, #tpu.memory_space<hbm>>) target(%dma_start3A_30 : memref<64x128xf32, #tpu.memory_space<vmem>>) offsets(%dma_start3A_31 : memref<64xi32, #tpu.memory_space<vmem>>) semaphore(%dma_start3A_36 : memref<!tpu.dma_semaphore, #tpu.memory_space<semaphore_mem>>)
    %rem3A_37 = arith.constant 1 : i32
    %rem3A_38 = arith.constant 3 : i32
    %rem3A_39 = arith.remsi %rem3A_37, %rem3A_38 : i32
    %mul3A_40 = arith.constant 1 : i32
    %mul3A_41 = arith.constant 64 : i32
    %mul3A_42 = arith.muli %mul3A_40, %mul3A_41 : i32
    %multiple_of3A_43 = tpu.assume_multiple %mul3A_42, 64 : i32
    %dma_start3A_44 = arith.constant 0 : i32
    %dma_start3A_45 = arith.constant 0 : i32
    %dma_start3A_46 = tpu.memref_slice %arg11[%rem3A_39, %dma_start3A_44, %dma_start3A_45] : memref<3x64x128xf32, #tpu.memory_space<vmem>> -> memref<1x64x128xf32, #tpu.memory_space<vmem>>
    %dma_start3A_47 = tpu.memref_squeeze %dma_start3A_46 : memref<1x64x128xf32, #tpu.memory_space<vmem>> -> memref<64x128xf32, #tpu.memory_space<vmem>>
    %dma_start3A_48 = tpu.memref_slice %arg8[%multiple_of3A_43] : memref<512xi32, #tpu.memory_space<vmem>> -> memref<64xi32, #tpu.memory_space<vmem>>
    %dma_start3A_49 = arith.constant 0 : i32
    %dma_start3A_50 = arith.constant 0 : i32
    %dma_start3A_51 = tpu.memref_slice %arg5[%dma_start3A_49, %dma_start3A_50] : memref<1000000x128xf32, #tpu.memory_space<hbm>> -> memref<1000000x128xf32, #tpu.memory_space<hbm>>
    %dma_start3A_52 = tpu.memref_slice %arg14[%rem3A_39] : memref<3x!tpu.dma_semaphore, #tpu.memory_space<semaphore_mem>> -> memref<1x!tpu.dma_semaphore, #tpu.memory_space<semaphore_mem>>
    %dma_start3A_53 = tpu.memref_squeeze %dma_start3A_52 : memref<1x!tpu.dma_semaphore, #tpu.memory_space<semaphore_mem>> -> memref<!tpu.dma_semaphore, #tpu.memory_space<semaphore_mem>>
    tpu.enqueue_indirect_dma source(%dma_start3A_51 : memref<1000000x128xf32, #tpu.memory_space<hbm>>) target(%dma_start3A_47 : memref<64x128xf32, #tpu.memory_space<vmem>>) offsets(%dma_start3A_48 : memref<64xi32, #tpu.memory_space<vmem>>) semaphore(%dma_start3A_53 : memref<!tpu.dma_semaphore, #tpu.memory_space<semaphore_mem>>)
    %rem3A_54 = arith.constant 2 : i32
    %rem3A_55 = arith.constant 3 : i32
    %rem3A_56 = arith.remsi %rem3A_54, %rem3A_55 : i32
    %mul3A_57 = arith.constant 2 : i32
    %mul3A_58 = arith.constant 64 : i32
    %mul3A_59 = arith.muli %mul3A_57, %mul3A_58 : i32
    %multiple_of3A_60 = tpu.assume_multiple %mul3A_59, 64 : i32
    %dma_start3A_61 = arith.constant 0 : i32
    %dma_start3A_62 = arith.constant 0 : i32
    %dma_start3A_63 = tpu.memref_slice %arg11[%rem3A_56, %dma_start3A_61, %dma_start3A_62] : memref<3x64x128xf32, #tpu.memory_space<vmem>> -> memref<1x64x128xf32, #tpu.memory_space<vmem>>
    %dma_start3A_64 = tpu.memref_squeeze %dma_start3A_63 : memref<1x64x128xf32, #tpu.memory_space<vmem>> -> memref<64x128xf32, #tpu.memory_space<vmem>>
    %dma_start3A_65 = tpu.memref_slice %arg8[%multiple_of3A_60] : memref<512xi32, #tpu.memory_space<vmem>> -> memref<64xi32, #tpu.memory_space<vmem>>
    %dma_start3A_66 = arith.constant 0 : i32
    %dma_start3A_67 = arith.constant 0 : i32
    %dma_start3A_68 = tpu.memref_slice %arg5[%dma_start3A_66, %dma_start3A_67] : memref<1000000x128xf32, #tpu.memory_space<hbm>> -> memref<1000000x128xf32, #tpu.memory_space<hbm>>
    %dma_start3A_69 = tpu.memref_slice %arg14[%rem3A_56] : memref<3x!tpu.dma_semaphore, #tpu.memory_space<semaphore_mem>> -> memref<1x!tpu.dma_semaphore, #tpu.memory_space<semaphore_mem>>
    %dma_start3A_70 = tpu.memref_squeeze %dma_start3A_69 : memref<1x!tpu.dma_semaphore, #tpu.memory_space<semaphore_mem>> -> memref<!tpu.dma_semaphore, #tpu.memory_space<semaphore_mem>>
    tpu.enqueue_indirect_dma source(%dma_start3A_68 : memref<1000000x128xf32, #tpu.memory_space<hbm>>) target(%dma_start3A_64 : memref<64x128xf32, #tpu.memory_space<vmem>>) offsets(%dma_start3A_65 : memref<64xi32, #tpu.memory_space<vmem>>) semaphore(%dma_start3A_70 : memref<!tpu.dma_semaphore, #tpu.memory_space<semaphore_mem>>)
    %dma_wait3A_71 = arith.constant 2 : i32
    %dma_wait3A_72 = tpu.memref_slice %arg4[%multiple_of3A] : memref<16384xi32, #tpu.memory_space<hbm>> -> memref<512xi32, #tpu.memory_space<hbm>>
    %dma_wait3A_73 = tpu.memref_slice %arg17[%dma_wait3A_71] : memref<3x!tpu.dma_semaphore, #tpu.memory_space<semaphore_mem>> -> memref<1x!tpu.dma_semaphore, #tpu.memory_space<semaphore_mem>>
    %dma_wait3A_74 = tpu.memref_squeeze %dma_wait3A_73 : memref<1x!tpu.dma_semaphore, #tpu.memory_space<semaphore_mem>> -> memref<!tpu.dma_semaphore, #tpu.memory_space<semaphore_mem>>
    %dma_wait3A_75 = tpu.memref_slice %arg4[%multiple_of3A] : memref<16384xi32, #tpu.memory_space<hbm>> -> memref<512xi32, #tpu.memory_space<hbm>>
    tpu.wait_dma2 semaphore(%dma_wait3A_74 : memref<!tpu.dma_semaphore, #tpu.memory_space<semaphore_mem>>) src(%dma_wait3A_75 : memref<512xi32, #tpu.memory_space<hbm>>) dst(%arg10 : memref<512xi32, #tpu.memory_space<vmem>>)
    %rem3A_76 = arith.constant 0 : i32
    %rem3A_77 = arith.constant 2 : i32
    %rem3A_78 = arith.remsi %rem3A_76, %rem3A_77 : i32
    %mul3A_79 = arith.constant 0 : i32
    %mul3A_80 = arith.constant 64 : i32
    %mul3A_81 = arith.muli %mul3A_79, %mul3A_80 : i32
    %multiple_of3A_82 = tpu.assume_multiple %mul3A_81, 64 : i32
    %dma_start3A_83 = arith.constant 0 : i32
    %dma_start3A_84 = arith.constant 0 : i32
    %dma_start3A_85 = tpu.memref_slice %arg12[%rem3A_78, %dma_start3A_83, %dma_start3A_84] : memref<2x64x128xf32, #tpu.memory_space<vmem>> -> memref<1x64x128xf32, #tpu.memory_space<vmem>>
    %dma_start3A_86 = tpu.memref_squeeze %dma_start3A_85 : memref<1x64x128xf32, #tpu.memory_space<vmem>> -> memref<64x128xf32, #tpu.memory_space<vmem>>
    %dma_start3A_87 = tpu.memref_slice %arg10[%multiple_of3A_82] : memref<512xi32, #tpu.memory_space<vmem>> -> memref<64xi32, #tpu.memory_space<vmem>>
    %dma_start3A_88 = arith.constant 0 : i32
    %dma_start3A_89 = arith.constant 0 : i32
    %dma_start3A_90 = tpu.memref_slice %arg5[%dma_start3A_88, %dma_start3A_89] : memref<1000000x128xf32, #tpu.memory_space<hbm>> -> memref<1000000x128xf32, #tpu.memory_space<hbm>>
    %dma_start3A_91 = tpu.memref_slice %arg16[%rem3A_78] : memref<2x!tpu.dma_semaphore, #tpu.memory_space<semaphore_mem>> -> memref<1x!tpu.dma_semaphore, #tpu.memory_space<semaphore_mem>>
    %dma_start3A_92 = tpu.memref_squeeze %dma_start3A_91 : memref<1x!tpu.dma_semaphore, #tpu.memory_space<semaphore_mem>> -> memref<!tpu.dma_semaphore, #tpu.memory_space<semaphore_mem>>
    tpu.enqueue_indirect_dma source(%dma_start3A_90 : memref<1000000x128xf32, #tpu.memory_space<hbm>>) target(%dma_start3A_86 : memref<64x128xf32, #tpu.memory_space<vmem>>) offsets(%dma_start3A_87 : memref<64xi32, #tpu.memory_space<vmem>>) semaphore(%dma_start3A_92 : memref<!tpu.dma_semaphore, #tpu.memory_space<semaphore_mem>>)
    %rem3A_93 = arith.constant 1 : i32
    %rem3A_94 = arith.constant 2 : i32
    %rem3A_95 = arith.remsi %rem3A_93, %rem3A_94 : i32
    %mul3A_96 = arith.constant 1 : i32
    %mul3A_97 = arith.constant 64 : i32
    %mul3A_98 = arith.muli %mul3A_96, %mul3A_97 : i32
    %multiple_of3A_99 = tpu.assume_multiple %mul3A_98, 64 : i32
    %dma_start3A_100 = arith.constant 0 : i32
    %dma_start3A_101 = arith.constant 0 : i32
    %dma_start3A_102 = tpu.memref_slice %arg12[%rem3A_95, %dma_start3A_100, %dma_start3A_101] : memref<2x64x128xf32, #tpu.memory_space<vmem>> -> memref<1x64x128xf32, #tpu.memory_space<vmem>>
    %dma_start3A_103 = tpu.memref_squeeze %dma_start3A_102 : memref<1x64x128xf32, #tpu.memory_space<vmem>> -> memref<64x128xf32, #tpu.memory_space<vmem>>
    %dma_start3A_104 = tpu.memref_slice %arg10[%multiple_of3A_99] : memref<512xi32, #tpu.memory_space<vmem>> -> memref<64xi32, #tpu.memory_space<vmem>>
    %dma_start3A_105 = arith.constant 0 : i32
    %dma_start3A_106 = arith.constant 0 : i32
    %dma_start3A_107 = tpu.memref_slice %arg5[%dma_start3A_105, %dma_start3A_106] : memref<1000000x128xf32, #tpu.memory_space<hbm>> -> memref<1000000x128xf32, #tpu.memory_space<hbm>>
    %dma_start3A_108 = tpu.memref_slice %arg16[%rem3A_95] : memref<2x!tpu.dma_semaphore, #tpu.memory_space<semaphore_mem>> -> memref<1x!tpu.dma_semaphore, #tpu.memory_space<semaphore_mem>>
    %dma_start3A_109 = tpu.memref_squeeze %dma_start3A_108 : memref<1x!tpu.dma_semaphore, #tpu.memory_space<semaphore_mem>> -> memref<!tpu.dma_semaphore, #tpu.memory_space<semaphore_mem>>
    tpu.enqueue_indirect_dma source(%dma_start3A_107 : memref<1000000x128xf32, #tpu.memory_space<hbm>>) target(%dma_start3A_103 : memref<64x128xf32, #tpu.memory_space<vmem>>) offsets(%dma_start3A_104 : memref<64xi32, #tpu.memory_space<vmem>>) semaphore(%dma_start3A_109 : memref<!tpu.dma_semaphore, #tpu.memory_space<semaphore_mem>>)
    %dma_wait3A_110 = arith.constant 1 : i32
    %dma_wait3A_111 = tpu.memref_slice %arg3[%multiple_of3A] : memref<16384xi32, #tpu.memory_space<hbm>> -> memref<512xi32, #tpu.memory_space<hbm>>
    %dma_wait3A_112 = tpu.memref_slice %arg17[%dma_wait3A_110] : memref<3x!tpu.dma_semaphore, #tpu.memory_space<semaphore_mem>> -> memref<1x!tpu.dma_semaphore, #tpu.memory_space<semaphore_mem>>
    %dma_wait3A_113 = tpu.memref_squeeze %dma_wait3A_112 : memref<1x!tpu.dma_semaphore, #tpu.memory_space<semaphore_mem>> -> memref<!tpu.dma_semaphore, #tpu.memory_space<semaphore_mem>>
    %dma_wait3A_114 = tpu.memref_slice %arg3[%multiple_of3A] : memref<16384xi32, #tpu.memory_space<hbm>> -> memref<512xi32, #tpu.memory_space<hbm>>
    tpu.wait_dma2 semaphore(%dma_wait3A_113 : memref<!tpu.dma_semaphore, #tpu.memory_space<semaphore_mem>>) src(%dma_wait3A_114 : memref<512xi32, #tpu.memory_space<hbm>>) dst(%arg9 : memref<512xi32, #tpu.memory_space<vmem>>)
    %rem3A_115 = arith.constant 0 : i32
    %rem3A_116 = arith.constant 3 : i32
    %rem3A_117 = arith.remsi %rem3A_115, %rem3A_116 : i32
    %mul3A_118 = arith.constant 0 : i32
    %mul3A_119 = arith.constant 64 : i32
    %mul3A_120 = arith.muli %mul3A_118, %mul3A_119 : i32
    %multiple_of3A_121 = tpu.assume_multiple %mul3A_120, 64 : i32
    %dma_wait3A_122 = arith.constant 0 : i32
    %dma_wait3A_123 = arith.constant 0 : i32
    %dma_wait3A_124 = tpu.memref_slice %arg11[%rem3A_117, %dma_wait3A_122, %dma_wait3A_123] : memref<3x64x128xf32, #tpu.memory_space<vmem>> -> memref<1x64x128xf32, #tpu.memory_space<vmem>>
    %dma_wait3A_125 = tpu.memref_squeeze %dma_wait3A_124 : memref<1x64x128xf32, #tpu.memory_space<vmem>> -> memref<64x128xf32, #tpu.memory_space<vmem>>
    %dma_wait3A_126 = tpu.memref_slice %arg8[%multiple_of3A_121] : memref<512xi32, #tpu.memory_space<vmem>> -> memref<64xi32, #tpu.memory_space<vmem>>
    %dma_wait3A_127 = arith.constant 0 : i32
    %dma_wait3A_128 = arith.constant 0 : i32
    %dma_wait3A_129 = tpu.memref_slice %arg5[%dma_wait3A_127, %dma_wait3A_128] : memref<1000000x128xf32, #tpu.memory_space<hbm>> -> memref<1000000x128xf32, #tpu.memory_space<hbm>>
    %dma_wait3A_130 = tpu.memref_slice %arg14[%rem3A_117] : memref<3x!tpu.dma_semaphore, #tpu.memory_space<semaphore_mem>> -> memref<1x!tpu.dma_semaphore, #tpu.memory_space<semaphore_mem>>
    %dma_wait3A_131 = tpu.memref_squeeze %dma_wait3A_130 : memref<1x!tpu.dma_semaphore, #tpu.memory_space<semaphore_mem>> -> memref<!tpu.dma_semaphore, #tpu.memory_space<semaphore_mem>>
    tpu.wait_indirect_dma semaphore(%dma_wait3A_131 : memref<!tpu.dma_semaphore, #tpu.memory_space<semaphore_mem>>) src(%dma_wait3A_129 : memref<1000000x128xf32, #tpu.memory_space<hbm>>) dst(%dma_wait3A_125 : memref<64x128xf32, #tpu.memory_space<vmem>>)
    %rem3A_132 = arith.constant 0 : i32
    %rem3A_133 = arith.constant 3 : i32
    %rem3A_134 = arith.remsi %rem3A_132, %rem3A_133 : i32
    %mul3A_135 = arith.constant 0 : i32
    %mul3A_136 = arith.constant 64 : i32
    %mul3A_137 = arith.muli %mul3A_135, %mul3A_136 : i32
    %multiple_of3A_138 = tpu.assume_multiple %mul3A_137, 64 : i32
    %dma_start3A_139 = arith.constant 0 : i32
    %dma_start3A_140 = arith.constant 0 : i32
    %dma_start3A_141 = tpu.memref_slice %arg11[%rem3A_134, %dma_start3A_139, %dma_start3A_140] : memref<3x64x128xf32, #tpu.memory_space<vmem>> -> memref<1x64x128xf32, #tpu.memory_space<vmem>>
    %dma_start3A_142 = tpu.memref_squeeze %dma_start3A_141 : memref<1x64x128xf32, #tpu.memory_space<vmem>> -> memref<64x128xf32, #tpu.memory_space<vmem>>
    %dma_start3A_143 = tpu.memref_slice %arg9[%multiple_of3A_138] : memref<512xi32, #tpu.memory_space<vmem>> -> memref<64xi32, #tpu.memory_space<vmem>>
    %dma_start3A_144 = arith.constant 0 : i32
    %dma_start3A_145 = arith.constant 0 : i32
    %dma_start3A_146 = tpu.memref_slice %arg6[%dma_start3A_144, %dma_start3A_145] : memref<1000x128xf32, #tpu.memory_space<hbm>> -> memref<1000x128xf32, #tpu.memory_space<hbm>>
    %dma_start3A_147 = tpu.memref_slice %arg15[%rem3A_134] : memref<3x!tpu.dma_semaphore, #tpu.memory_space<semaphore_mem>> -> memref<1x!tpu.dma_semaphore, #tpu.memory_space<semaphore_mem>>
    %dma_start3A_148 = tpu.memref_squeeze %dma_start3A_147 : memref<1x!tpu.dma_semaphore, #tpu.memory_space<semaphore_mem>> -> memref<!tpu.dma_semaphore, #tpu.memory_space<semaphore_mem>>
    tpu.enqueue_indirect_dma source(%dma_start3A_146 : memref<1000x128xf32, #tpu.memory_space<hbm>>) target(%dma_start3A_142 : memref<64x128xf32, #tpu.memory_space<vmem>>) offsets(%dma_start3A_143 : memref<64xi32, #tpu.memory_space<vmem>>) semaphore(%dma_start3A_148 : memref<!tpu.dma_semaphore, #tpu.memory_space<semaphore_mem>>) {add = true}
    %scan3A = arith.constant 0 : i32
    %scan3A_149 = arith.constant 0 : i32
    %scan3A_150 = arith.constant 8 : i32
    %scan3A_151 = arith.addi %scan3A_149, %scan3A_150 : i32
    %scan3A_152 = arith.constant 1 : i32
    %scan3A_153 = scf.for %scan3A_155 = %scan3A_149 to %scan3A_151 step %scan3A_152 iter_args(%scan3A_156 = %scan3A) -> (i32)  : i32 {
      %add3A_157 = arith.constant 1 : i32
      %add3A_158 = arith.addi %scan3A_155, %add3A_157 : i32
      %lt3A = arith.constant 8 : i32
      %lt3A_159 = arith.cmpi slt, %add3A_158, %lt3A : i32
      %convert_element_type3A = arith.extui %lt3A_159 : i1 to i32
      %cond3A = arith.constant 0 : i32
      %cond3A_160 = arith.cmpi ne, %convert_element_type3A, %cond3A : i32
      scf.if %cond3A_160 {
        %add3A_217 = arith.constant 1 : i32
        %add3A_218 = arith.addi %scan3A_155, %add3A_217 : i32
        %rem3A_219 = arith.constant 3 : i32
        %rem3A_220 = arith.remsi %add3A_218, %rem3A_219 : i32
        %mul3A_221 = arith.constant 64 : i32
        %mul3A_222 = arith.muli %add3A_218, %mul3A_221 : i32
        %multiple_of3A_223 = tpu.assume_multiple %mul3A_222, 64 : i32
        %dma_wait3A_224 = arith.constant 0 : i32
        %dma_wait3A_225 = arith.constant 0 : i32
        %dma_wait3A_226 = tpu.memref_slice %arg11[%rem3A_220, %dma_wait3A_224, %dma_wait3A_225] : memref<3x64x128xf32, #tpu.memory_space<vmem>> -> memref<1x64x128xf32, #tpu.memory_space<vmem>>
        %dma_wait3A_227 = tpu.memref_squeeze %dma_wait3A_226 : memref<1x64x128xf32, #tpu.memory_space<vmem>> -> memref<64x128xf32, #tpu.memory_space<vmem>>
        %dma_wait3A_228 = tpu.memref_slice %arg8[%multiple_of3A_223] : memref<512xi32, #tpu.memory_space<vmem>> -> memref<64xi32, #tpu.memory_space<vmem>>
        %dma_wait3A_229 = arith.constant 0 : i32
        %dma_wait3A_230 = arith.constant 0 : i32
        %dma_wait3A_231 = tpu.memref_slice %arg5[%dma_wait3A_229, %dma_wait3A_230] : memref<1000000x128xf32, #tpu.memory_space<hbm>> -> memref<1000000x128xf32, #tpu.memory_space<hbm>>
        %dma_wait3A_232 = tpu.memref_slice %arg14[%rem3A_220] : memref<3x!tpu.dma_semaphore, #tpu.memory_space<semaphore_mem>> -> memref<1x!tpu.dma_semaphore, #tpu.memory_space<semaphore_mem>>
        %dma_wait3A_233 = tpu.memref_squeeze %dma_wait3A_232 : memref<1x!tpu.dma_semaphore, #tpu.memory_space<semaphore_mem>> -> memref<!tpu.dma_semaphore, #tpu.memory_space<semaphore_mem>>
        tpu.wait_indirect_dma semaphore(%dma_wait3A_233 : memref<!tpu.dma_semaphore, #tpu.memory_space<semaphore_mem>>) src(%dma_wait3A_231 : memref<1000000x128xf32, #tpu.memory_space<hbm>>) dst(%dma_wait3A_227 : memref<64x128xf32, #tpu.memory_space<vmem>>)
        %add3A_234 = arith.constant 1 : i32
        %add3A_235 = arith.addi %scan3A_155, %add3A_234 : i32
        %rem3A_236 = arith.constant 3 : i32
        %rem3A_237 = arith.remsi %add3A_235, %rem3A_236 : i32
        %mul3A_238 = arith.constant 64 : i32
        %mul3A_239 = arith.muli %add3A_235, %mul3A_238 : i32
        %multiple_of3A_240 = tpu.assume_multiple %mul3A_239, 64 : i32
        %dma_start3A_241 = arith.constant 0 : i32
        %dma_start3A_242 = arith.constant 0 : i32
        %dma_start3A_243 = tpu.memref_slice %arg11[%rem3A_237, %dma_start3A_241, %dma_start3A_242] : memref<3x64x128xf32, #tpu.memory_space<vmem>> -> memref<1x64x128xf32, #tpu.memory_space<vmem>>
        %dma_start3A_244 = tpu.memref_squeeze %dma_start3A_243 : memref<1x64x128xf32, #tpu.memory_space<vmem>> -> memref<64x128xf32, #tpu.memory_space<vmem>>
        %dma_start3A_245 = tpu.memref_slice %arg9[%multiple_of3A_240] : memref<512xi32, #tpu.memory_space<vmem>> -> memref<64xi32, #tpu.memory_space<vmem>>
        %dma_start3A_246 = arith.constant 0 : i32
        %dma_start3A_247 = arith.constant 0 : i32
        %dma_start3A_248 = tpu.memref_slice %arg6[%dma_start3A_246, %dma_start3A_247] : memref<1000x128xf32, #tpu.memory_space<hbm>> -> memref<1000x128xf32, #tpu.memory_space<hbm>>
        %dma_start3A_249 = tpu.memref_slice %arg15[%rem3A_237] : memref<3x!tpu.dma_semaphore, #tpu.memory_space<semaphore_mem>> -> memref<1x!tpu.dma_semaphore, #tpu.memory_space<semaphore_mem>>
        %dma_start3A_250 = tpu.memref_squeeze %dma_start3A_249 : memref<1x!tpu.dma_semaphore, #tpu.memory_space<semaphore_mem>> -> memref<!tpu.dma_semaphore, #tpu.memory_space<semaphore_mem>>
        tpu.enqueue_indirect_dma source(%dma_start3A_248 : memref<1000x128xf32, #tpu.memory_space<hbm>>) target(%dma_start3A_244 : memref<64x128xf32, #tpu.memory_space<vmem>>) offsets(%dma_start3A_245 : memref<64xi32, #tpu.memory_space<vmem>>) semaphore(%dma_start3A_250 : memref<!tpu.dma_semaphore, #tpu.memory_space<semaphore_mem>>) {add = true}
      } else {
      }
      %rem3A_161 = arith.constant 3 : i32
      %rem3A_162 = arith.remsi %scan3A_155, %rem3A_161 : i32
      %mul3A_163 = arith.constant 64 : i32
      %mul3A_164 = arith.muli %scan3A_155, %mul3A_163 : i32
      %multiple_of3A_165 = tpu.assume_multiple %mul3A_164, 64 : i32
      %dma_wait3A_166 = arith.constant 0 : i32
      %dma_wait3A_167 = arith.constant 0 : i32
      %dma_wait3A_168 = tpu.memref_slice %arg11[%rem3A_162, %dma_wait3A_166, %dma_wait3A_167] : memref<3x64x128xf32, #tpu.memory_space<vmem>> -> memref<1x64x128xf32, #tpu.memory_space<vmem>>
      %dma_wait3A_169 = tpu.memref_squeeze %dma_wait3A_168 : memref<1x64x128xf32, #tpu.memory_space<vmem>> -> memref<64x128xf32, #tpu.memory_space<vmem>>
      %dma_wait3A_170 = tpu.memref_slice %arg9[%multiple_of3A_165] : memref<512xi32, #tpu.memory_space<vmem>> -> memref<64xi32, #tpu.memory_space<vmem>>
      %dma_wait3A_171 = arith.constant 0 : i32
      %dma_wait3A_172 = arith.constant 0 : i32
      %dma_wait3A_173 = tpu.memref_slice %arg6[%dma_wait3A_171, %dma_wait3A_172] : memref<1000x128xf32, #tpu.memory_space<hbm>> -> memref<1000x128xf32, #tpu.memory_space<hbm>>
      %dma_wait3A_174 = tpu.memref_slice %arg15[%rem3A_162] : memref<3x!tpu.dma_semaphore, #tpu.memory_space<semaphore_mem>> -> memref<1x!tpu.dma_semaphore, #tpu.memory_space<semaphore_mem>>
      %dma_wait3A_175 = tpu.memref_squeeze %dma_wait3A_174 : memref<1x!tpu.dma_semaphore, #tpu.memory_space<semaphore_mem>> -> memref<!tpu.dma_semaphore, #tpu.memory_space<semaphore_mem>>
      tpu.wait_indirect_dma semaphore(%dma_wait3A_175 : memref<!tpu.dma_semaphore, #tpu.memory_space<semaphore_mem>>) src(%dma_wait3A_173 : memref<1000x128xf32, #tpu.memory_space<hbm>>) dst(%dma_wait3A_169 : memref<64x128xf32, #tpu.memory_space<vmem>>)
      %rem3A_176 = arith.constant 2 : i32
      %rem3A_177 = arith.remsi %scan3A_155, %rem3A_176 : i32
      %mul3A_178 = arith.constant 64 : i32
      %mul3A_179 = arith.muli %scan3A_155, %mul3A_178 : i32
      %multiple_of3A_180 = tpu.assume_multiple %mul3A_179, 64 : i32
      %dma_wait3A_181 = arith.constant 0 : i32
      %dma_wait3A_182 = arith.constant 0 : i32
      %dma_wait3A_183 = tpu.memref_slice %arg12[%rem3A_177, %dma_wait3A_181, %dma_wait3A_182] : memref<2x64x128xf32, #tpu.memory_space<vmem>> -> memref<1x64x128xf32, #tpu.memory_space<vmem>>
      %dma_wait3A_184 = tpu.memref_squeeze %dma_wait3A_183 : memref<1x64x128xf32, #tpu.memory_space<vmem>> -> memref<64x128xf32, #tpu.memory_space<vmem>>
      %dma_wait3A_185 = tpu.memref_slice %arg10[%multiple_of3A_180] : memref<512xi32, #tpu.memory_space<vmem>> -> memref<64xi32, #tpu.memory_space<vmem>>
      %dma_wait3A_186 = arith.constant 0 : i32
      %dma_wait3A_187 = arith.constant 0 : i32
      %dma_wait3A_188 = tpu.memref_slice %arg5[%dma_wait3A_186, %dma_wait3A_187] : memref<1000000x128xf32, #tpu.memory_space<hbm>> -> memref<1000000x128xf32, #tpu.memory_space<hbm>>
      %dma_wait3A_189 = tpu.memref_slice %arg16[%rem3A_177] : memref<2x!tpu.dma_semaphore, #tpu.memory_space<semaphore_mem>> -> memref<1x!tpu.dma_semaphore, #tpu.memory_space<semaphore_mem>>
      %dma_wait3A_190 = tpu.memref_squeeze %dma_wait3A_189 : memref<1x!tpu.dma_semaphore, #tpu.memory_space<semaphore_mem>> -> memref<!tpu.dma_semaphore, #tpu.memory_space<semaphore_mem>>
      tpu.wait_indirect_dma semaphore(%dma_wait3A_190 : memref<!tpu.dma_semaphore, #tpu.memory_space<semaphore_mem>>) src(%dma_wait3A_188 : memref<1000000x128xf32, #tpu.memory_space<hbm>>) dst(%dma_wait3A_184 : memref<64x128xf32, #tpu.memory_space<vmem>>)
      %rem3A_191 = arith.constant 3 : i32
      %rem3A_192 = arith.remsi %scan3A_155, %rem3A_191 : i32
      %rem3A_193 = arith.constant 2 : i32
      %rem3A_194 = arith.remsi %scan3A_155, %rem3A_193 : i32
      %scan3A_195 = arith.constant 0 : i32
      %scan3A_196 = arith.constant 0 : i32
      %scan3A_197 = arith.constant 4 : i32
      %scan3A_198 = arith.addi %scan3A_196, %scan3A_197 : i32
      %scan3A_199 = arith.constant 1 : i32
      %scan3A_200 = scf.for %scan3A_217 = %scan3A_196 to %scan3A_198 step %scan3A_199 iter_args(%scan3A_218 = %scan3A_195) -> (i32)  : i32 {
        %broadcast_in_dim3A = arith.constant 0.000000e+00 : f32
        %broadcast_in_dim3A_219 = vector.broadcast %broadcast_in_dim3A : f32 to vector<16xf32>
        %scan3A_220 = arith.constant 0 : i32
        %scan3A_221 = arith.constant 4 : i32
        %scan3A_222 = arith.addi %scan3A_220, %scan3A_221 : i32
        %scan3A_223 = arith.constant 1 : i32
        %scan3A_224 = scf.for %scan3A_234 = %scan3A_220 to %scan3A_222 step %scan3A_223 iter_args(%scan3A_235 = %broadcast_in_dim3A_219) -> (vector<16xf32>)  : i32 {
          %mul3A_236 = arith.constant 4 : i32
          %mul3A_237 = arith.muli %scan3A_234, %mul3A_236 : i32
          %add3A_238 = arith.constant 0 : i32
          %add3A_239 = arith.addi %mul3A_237, %add3A_238 : i32
          %mul3A_240 = arith.constant 16 : i32
          %mul3A_241 = arith.muli %scan3A_217, %mul3A_240 : i32
          %add3A_242 = arith.addi %mul3A_241, %add3A_239 : i32
          %broadcast_in_dim3A_243 = arith.constant 0.000000e+00 : f32
          %broadcast_in_dim3A_244 = vector.broadcast %broadcast_in_dim3A_243 : f32 to vector<16xf32>
          %get3A = arith.index_cast %rem3A_192 : i32 to index
          %get3A_245 = arith.index_cast %add3A_242 : i32 to index
          %get3A_246 = arith.constant 0 : index
          %get3A_247 = tpu.vector_load %arg11[%get3A, %get3A_245, %get3A_246] {strides = array<i32>} : memref<3x64x128xf32, #tpu.memory_space<vmem>>, vector<16xf32>,
          %get3A_248 = arith.index_cast %rem3A_194 : i32 to index
          %get3A_249 = arith.index_cast %add3A_242 : i32 to index
          %get3A_250 = arith.constant 0 : index
          %get3A_251 = tpu.vector_load %arg12[%get3A_248, %get3A_249, %get3A_250] {strides = array<i32>} : memref<2x64x128xf32, #tpu.memory_space<vmem>>, vector<16xf32>,
          %sub3A = arith.subf %get3A_247, %get3A_251 : vector<16xf32>
          %abs3A = math.absf %sub3A : vector<16xf32>
          %add3A_252 = arith.addf %broadcast_in_dim3A_244, %abs3A : vector<16xf32>
          %get3A_253 = arith.index_cast %rem3A_192 : i32 to index
          %get3A_254 = arith.index_cast %add3A_242 : i32 to index
          %get3A_255 = arith.constant 16 : index
          %get3A_256 = tpu.vector_load %arg11[%get3A_253, %get3A_254, %get3A_255] {strides = array<i32>} : memref<3x64x128xf32, #tpu.memory_space<vmem>>, vector<16xf32>,
          %get3A_257 = arith.index_cast %rem3A_194 : i32 to index
          %get3A_258 = arith.index_cast %add3A_242 : i32 to index
          %get3A_259 = arith.constant 16 : index
          %get3A_260 = tpu.vector_load %arg12[%get3A_257, %get3A_258, %get3A_259] {strides = array<i32>} : memref<2x64x128xf32, #tpu.memory_space<vmem>>, vector<16xf32>,
          %sub3A_261 = arith.subf %get3A_256, %get3A_260 : vector<16xf32>
          %abs3A_262 = math.absf %sub3A_261 : vector<16xf32>
          %add3A_263 = arith.addf %add3A_252, %abs3A_262 : vector<16xf32>
          %get3A_264 = arith.index_cast %rem3A_192 : i32 to index
          %get3A_265 = arith.index_cast %add3A_242 : i32 to index
          %get3A_266 = arith.constant 32 : index
          %get3A_267 = tpu.vector_load %arg11[%get3A_264, %get3A_265, %get3A_266] {strides = array<i32>} : memref<3x64x128xf32, #tpu.memory_space<vmem>>, vector<16xf32>,
          %get3A_268 = arith.index_cast %rem3A_194 : i32 to index
          %get3A_269 = arith.index_cast %add3A_242 : i32 to index
          %get3A_270 = arith.constant 32 : index
          %get3A_271 = tpu.vector_load %arg12[%get3A_268, %get3A_269, %get3A_270] {strides = array<i32>} : memref<2x64x128xf32, #tpu.memory_space<vmem>>, vector<16xf32>,
          %sub3A_272 = arith.subf %get3A_267, %get3A_271 : vector<16xf32>
          %abs3A_273 = math.absf %sub3A_272 : vector<16xf32>
          %add3A_274 = arith.addf %add3A_263, %abs3A_273 : vector<16xf32>
          %get3A_275 = arith.index_cast %rem3A_192 : i32 to index
          %get3A_276 = arith.index_cast %add3A_242 : i32 to index
          %get3A_277 = arith.constant 48 : index
          %get3A_278 = tpu.vector_load %arg11[%get3A_275, %get3A_276, %get3A_277] {strides = array<i32>} : memref<3x64x128xf32, #tpu.memory_space<vmem>>, vector<16xf32>,
          %get3A_279 = arith.index_cast %rem3A_194 : i32 to index
          %get3A_280 = arith.index_cast %add3A_242 : i32 to index
          %get3A_281 = arith.constant 48 : index
          %get3A_282 = tpu.vector_load %arg12[%get3A_279, %get3A_280, %get3A_281] {strides = array<i32>} : memref<2x64x128xf32, #tpu.memory_space<vmem>>, vector<16xf32>,
          %sub3A_283 = arith.subf %get3A_278, %get3A_282 : vector<16xf32>
          %abs3A_284 = math.absf %sub3A_283 : vector<16xf32>
          %add3A_285 = arith.addf %add3A_274, %abs3A_284 : vector<16xf32>
          %get3A_286 = arith.index_cast %rem3A_192 : i32 to index
          %get3A_287 = arith.index_cast %add3A_242 : i32 to index
          %get3A_288 = arith.constant 64 : index
          %get3A_289 = tpu.vector_load %arg11[%get3A_286, %get3A_287, %get3A_288] {strides = array<i32>} : memref<3x64x128xf32, #tpu.memory_space<vmem>>, vector<16xf32>,
          %get3A_290 = arith.index_cast %rem3A_194 : i32 to index
          %get3A_291 = arith.index_cast %add3A_242 : i32 to index
          %get3A_292 = arith.constant 64 : index
          %get3A_293 = tpu.vector_load %arg12[%get3A_290, %get3A_291, %get3A_292] {strides = array<i32>} : memref<2x64x128xf32, #tpu.memory_space<vmem>>, vector<16xf32>,
          %sub3A_294 = arith.subf %get3A_289, %get3A_293 : vector<16xf32>
          %abs3A_295 = math.absf %sub3A_294 : vector<16xf32>
          %add3A_296 = arith.addf %add3A_285, %abs3A_295 : vector<16xf32>
          %get3A_297 = arith.index_cast %rem3A_192 : i32 to index
          %get3A_298 = arith.index_cast %add3A_242 : i32 to index
          %get3A_299 = arith.constant 80 : index
          %get3A_300 = tpu.vector_load %arg11[%get3A_297, %get3A_298, %get3A_299] {strides = array<i32>} : memref<3x64x128xf32, #tpu.memory_space<vmem>>, vector<16xf32>,
          %get3A_301 = arith.index_cast %rem3A_194 : i32 to index
          %get3A_302 = arith.index_cast %add3A_242 : i32 to index
          %get3A_303 = arith.constant 80 : index
          %get3A_304 = tpu.vector_load %arg12[%get3A_301, %get3A_302, %get3A_303] {strides = array<i32>} : memref<2x64x128xf32, #tpu.memory_space<vmem>>, vector<16xf32>,
          %sub3A_305 = arith.subf %get3A_300, %get3A_304 : vector<16xf32>
          %abs3A_306 = math.absf %sub3A_305 : vector<16xf32>
          %add3A_307 = arith.addf %add3A_296, %abs3A_306 : vector<16xf32>
          %get3A_308 = arith.index_cast %rem3A_192 : i32 to index
          %get3A_309 = arith.index_cast %add3A_242 : i32 to index
          %get3A_310 = arith.constant 96 : index
          %get3A_311 = tpu.vector_load %arg11[%get3A_308, %get3A_309, %get3A_310] {strides = array<i32>} : memref<3x64x128xf32, #tpu.memory_space<vmem>>, vector<16xf32>,
          %get3A_312 = arith.index_cast %rem3A_194 : i32 to index
          %get3A_313 = arith.index_cast %add3A_242 : i32 to index
          %get3A_314 = arith.constant 96 : index
          %get3A_315 = tpu.vector_load %arg12[%get3A_312, %get3A_313, %get3A_314] {strides = array<i32>} : memref<2x64x128xf32, #tpu.memory_space<vmem>>, vector<16xf32>,
          %sub3A_316 = arith.subf %get3A_311, %get3A_315 : vector<16xf32>
          %abs3A_317 = math.absf %sub3A_316 : vector<16xf32>
          %add3A_318 = arith.addf %add3A_307, %abs3A_317 : vector<16xf32>
          %get3A_319 = arith.index_cast %rem3A_192 : i32 to index
          %get3A_320 = arith.index_cast %add3A_242 : i32 to index
          %get3A_321 = arith.constant 112 : index
          %get3A_322 = tpu.vector_load %arg11[%get3A_319, %get3A_320, %get3A_321] {strides = array<i32>} : memref<3x64x128xf32, #tpu.memory_space<vmem>>, vector<16xf32>,
          %get3A_323 = arith.index_cast %rem3A_194 : i32 to index
          %get3A_324 = arith.index_cast %add3A_242 : i32 to index
          %get3A_325 = arith.constant 112 : index
          %get3A_326 = tpu.vector_load %arg12[%get3A_323, %get3A_324, %get3A_325] {strides = array<i32>} : memref<2x64x128xf32, #tpu.memory_space<vmem>>, vector<16xf32>,
          %sub3A_327 = arith.subf %get3A_322, %get3A_326 : vector<16xf32>
          %abs3A_328 = math.absf %sub3A_327 : vector<16xf32>
          %add3A_329 = arith.addf %add3A_318, %abs3A_328 : vector<16xf32>
          %reduce_sum3A = arith.constant true
          %reduce_sum3A_330 = vector.broadcast %reduce_sum3A : i1 to vector<16xi1>
          %reduce_sum3A_331 = tpu.scan <sum>, %add3A_329 masked %reduce_sum3A_330 : vector<16xf32>, vector<16xi1> -> vector<16xf32>
          %reduce_sum3A_332 = vector.extract %reduce_sum3A_331[15] : f32 from vector<16xf32>
          %sub3A_333 = arith.constant 1.200000e+01 : f32
          %sub3A_334 = arith.subf %sub3A_333, %reduce_sum3A_332 : f32
          %eq3A = vector.broadcast %add3A_239 : i32 to vector<16xi32>
          %eq3A_335 = arith.cmpi eq, %iota3A, %eq3A : vector<16xi32>
          %broadcast_in_dim3A_336 = vector.broadcast %sub3A_334 : f32 to vector<16xf32>
          %select_n3A = arith.select %eq3A_335, %broadcast_in_dim3A_336, %scan3A_235 : vector<16xi1>, vector<16xf32>
          %mul3A_337 = arith.constant 4 : i32
          %mul3A_338 = arith.muli %scan3A_234, %mul3A_337 : i32
          %add3A_339 = arith.constant 1 : i32
          %add3A_340 = arith.addi %mul3A_338, %add3A_339 : i32
          %mul3A_341 = arith.constant 16 : i32
          %mul3A_342 = arith.muli %scan3A_217, %mul3A_341 : i32
          %add3A_343 = arith.addi %mul3A_342, %add3A_340 : i32
          %broadcast_in_dim3A_344 = arith.constant 0.000000e+00 : f32
          %broadcast_in_dim3A_345 = vector.broadcast %broadcast_in_dim3A_344 : f32 to vector<16xf32>
          %get3A_346 = arith.index_cast %rem3A_192 : i32 to index
          %get3A_347 = arith.index_cast %add3A_343 : i32 to index
          %get3A_348 = arith.constant 0 : index
          %get3A_349 = tpu.vector_load %arg11[%get3A_346, %get3A_347, %get3A_348] {strides = array<i32>} : memref<3x64x128xf32, #tpu.memory_space<vmem>>, vector<16xf32>,
          %get3A_350 = arith.index_cast %rem3A_194 : i32 to index
          %get3A_351 = arith.index_cast %add3A_343 : i32 to index
          %get3A_352 = arith.constant 0 : index
          %get3A_353 = tpu.vector_load %arg12[%get3A_350, %get3A_351, %get3A_352] {strides = array<i32>} : memref<2x64x128xf32, #tpu.memory_space<vmem>>, vector<16xf32>,
          %sub3A_354 = arith.subf %get3A_349, %get3A_353 : vector<16xf32>
          %abs3A_355 = math.absf %sub3A_354 : vector<16xf32>
          %add3A_356 = arith.addf %broadcast_in_dim3A_345, %abs3A_355 : vector<16xf32>
          %get3A_357 = arith.index_cast %rem3A_192 : i32 to index
          %get3A_358 = arith.index_cast %add3A_343 : i32 to index
          %get3A_359 = arith.constant 16 : index
          %get3A_360 = tpu.vector_load %arg11[%get3A_357, %get3A_358, %get3A_359] {strides = array<i32>} : memref<3x64x128xf32, #tpu.memory_space<vmem>>, vector<16xf32>,
          %get3A_361 = arith.index_cast %rem3A_194 : i32 to index
          %get3A_362 = arith.index_cast %add3A_343 : i32 to index
          %get3A_363 = arith.constant 16 : index
          %get3A_364 = tpu.vector_load %arg12[%get3A_361, %get3A_362, %get3A_363] {strides = array<i32>} : memref<2x64x128xf32, #tpu.memory_space<vmem>>, vector<16xf32>,
          %sub3A_365 = arith.subf %get3A_360, %get3A_364 : vector<16xf32>
          %abs3A_366 = math.absf %sub3A_365 : vector<16xf32>
          %add3A_367 = arith.addf %add3A_356, %abs3A_366 : vector<16xf32>
          %get3A_368 = arith.index_cast %rem3A_192 : i32 to index
          %get3A_369 = arith.index_cast %add3A_343 : i32 to index
          %get3A_370 = arith.constant 32 : index
          %get3A_371 = tpu.vector_load %arg11[%get3A_368, %get3A_369, %get3A_370] {strides = array<i32>} : memref<3x64x128xf32, #tpu.memory_space<vmem>>, vector<16xf32>,
          %get3A_372 = arith.index_cast %rem3A_194 : i32 to index
          %get3A_373 = arith.index_cast %add3A_343 : i32 to index
          %get3A_374 = arith.constant 32 : index
          %get3A_375 = tpu.vector_load %arg12[%get3A_372, %get3A_373, %get3A_374] {strides = array<i32>} : memref<2x64x128xf32, #tpu.memory_space<vmem>>, vector<16xf32>,
          %sub3A_376 = arith.subf %get3A_371, %get3A_375 : vector<16xf32>
          %abs3A_377 = math.absf %sub3A_376 : vector<16xf32>
          %add3A_378 = arith.addf %add3A_367, %abs3A_377 : vector<16xf32>
          %get3A_379 = arith.index_cast %rem3A_192 : i32 to index
          %get3A_380 = arith.index_cast %add3A_343 : i32 to index
          %get3A_381 = arith.constant 48 : index
          %get3A_382 = tpu.vector_load %arg11[%get3A_379, %get3A_380, %get3A_381] {strides = array<i32>} : memref<3x64x128xf32, #tpu.memory_space<vmem>>, vector<16xf32>,
          %get3A_383 = arith.index_cast %rem3A_194 : i32 to index
          %get3A_384 = arith.index_cast %add3A_343 : i32 to index
          %get3A_385 = arith.constant 48 : index
          %get3A_386 = tpu.vector_load %arg12[%get3A_383, %get3A_384, %get3A_385] {strides = array<i32>} : memref<2x64x128xf32, #tpu.memory_space<vmem>>, vector<16xf32>,
          %sub3A_387 = arith.subf %get3A_382, %get3A_386 : vector<16xf32>
          %abs3A_388 = math.absf %sub3A_387 : vector<16xf32>
          %add3A_389 = arith.addf %add3A_378, %abs3A_388 : vector<16xf32>
          %get3A_390 = arith.index_cast %rem3A_192 : i32 to index
          %get3A_391 = arith.index_cast %add3A_343 : i32 to index
          %get3A_392 = arith.constant 64 : index
          %get3A_393 = tpu.vector_load %arg11[%get3A_390, %get3A_391, %get3A_392] {strides = array<i32>} : memref<3x64x128xf32, #tpu.memory_space<vmem>>, vector<16xf32>,
          %get3A_394 = arith.index_cast %rem3A_194 : i32 to index
          %get3A_395 = arith.index_cast %add3A_343 : i32 to index
          %get3A_396 = arith.constant 64 : index
          %get3A_397 = tpu.vector_load %arg12[%get3A_394, %get3A_395, %get3A_396] {strides = array<i32>} : memref<2x64x128xf32, #tpu.memory_space<vmem>>, vector<16xf32>,
          %sub3A_398 = arith.subf %get3A_393, %get3A_397 : vector<16xf32>
          %abs3A_399 = math.absf %sub3A_398 : vector<16xf32>
          %add3A_400 = arith.addf %add3A_389, %abs3A_399 : vector<16xf32>
          %get3A_401 = arith.index_cast %rem3A_192 : i32 to index
          %get3A_402 = arith.index_cast %add3A_343 : i32 to index
          %get3A_403 = arith.constant 80 : index
          %get3A_404 = tpu.vector_load %arg11[%get3A_401, %get3A_402, %get3A_403] {strides = array<i32>} : memref<3x64x128xf32, #tpu.memory_space<vmem>>, vector<16xf32>,
          %get3A_405 = arith.index_cast %rem3A_194 : i32 to index
          %get3A_406 = arith.index_cast %add3A_343 : i32 to index
          %get3A_407 = arith.constant 80 : index
          %get3A_408 = tpu.vector_load %arg12[%get3A_405, %get3A_406, %get3A_407] {strides = array<i32>} : memref<2x64x128xf32, #tpu.memory_space<vmem>>, vector<16xf32>,
          %sub3A_409 = arith.subf %get3A_404, %get3A_408 : vector<16xf32>
          %abs3A_410 = math.absf %sub3A_409 : vector<16xf32>
          %add3A_411 = arith.addf %add3A_400, %abs3A_410 : vector<16xf32>
          %get3A_412 = arith.index_cast %rem3A_192 : i32 to index
          %get3A_413 = arith.index_cast %add3A_343 : i32 to index
          %get3A_414 = arith.constant 96 : index
          %get3A_415 = tpu.vector_load %arg11[%get3A_412, %get3A_413, %get3A_414] {strides = array<i32>} : memref<3x64x128xf32, #tpu.memory_space<vmem>>, vector<16xf32>,
          %get3A_416 = arith.index_cast %rem3A_194 : i32 to index
          %get3A_417 = arith.index_cast %add3A_343 : i32 to index
          %get3A_418 = arith.constant 96 : index
          %get3A_419 = tpu.vector_load %arg12[%get3A_416, %get3A_417, %get3A_418] {strides = array<i32>} : memref<2x64x128xf32, #tpu.memory_space<vmem>>, vector<16xf32>,
          %sub3A_420 = arith.subf %get3A_415, %get3A_419 : vector<16xf32>
          %abs3A_421 = math.absf %sub3A_420 : vector<16xf32>
          %add3A_422 = arith.addf %add3A_411, %abs3A_421 : vector<16xf32>
          %get3A_423 = arith.index_cast %rem3A_192 : i32 to index
          %get3A_424 = arith.index_cast %add3A_343 : i32 to index
          %get3A_425 = arith.constant 112 : index
          %get3A_426 = tpu.vector_load %arg11[%get3A_423, %get3A_424, %get3A_425] {strides = array<i32>} : memref<3x64x128xf32, #tpu.memory_space<vmem>>, vector<16xf32>,
          %get3A_427 = arith.index_cast %rem3A_194 : i32 to index
          %get3A_428 = arith.index_cast %add3A_343 : i32 to index
          %get3A_429 = arith.constant 112 : index
          %get3A_430 = tpu.vector_load %arg12[%get3A_427, %get3A_428, %get3A_429] {strides = array<i32>} : memref<2x64x128xf32, #tpu.memory_space<vmem>>, vector<16xf32>,
          %sub3A_431 = arith.subf %get3A_426, %get3A_430 : vector<16xf32>
          %abs3A_432 = math.absf %sub3A_431 : vector<16xf32>
          %add3A_433 = arith.addf %add3A_422, %abs3A_432 : vector<16xf32>
          %reduce_sum3A_434 = arith.constant true
          %reduce_sum3A_435 = vector.broadcast %reduce_sum3A_434 : i1 to vector<16xi1>
          %reduce_sum3A_436 = tpu.scan <sum>, %add3A_433 masked %reduce_sum3A_435 : vector<16xf32>, vector<16xi1> -> vector<16xf32>
          %reduce_sum3A_437 = vector.extract %reduce_sum3A_436[15] : f32 from vector<16xf32>
          %sub3A_438 = arith.constant 1.200000e+01 : f32
          %sub3A_439 = arith.subf %sub3A_438, %reduce_sum3A_437 : f32
          %eq3A_440 = vector.broadcast %add3A_340 : i32 to vector<16xi32>
          %eq3A_441 = arith.cmpi eq, %iota3A, %eq3A_440 : vector<16xi32>
          %broadcast_in_dim3A_442 = vector.broadcast %sub3A_439 : f32 to vector<16xf32>
          %select_n3A_443 = arith.select %eq3A_441, %broadcast_in_dim3A_442, %select_n3A : vector<16xi1>, vector<16xf32>
          %mul3A_444 = arith.constant 4 : i32
          %mul3A_445 = arith.muli %scan3A_234, %mul3A_444 : i32
          %add3A_446 = arith.constant 2 : i32
          %add3A_447 = arith.addi %mul3A_445, %add3A_446 : i32
          %mul3A_448 = arith.constant 16 : i32
          %mul3A_449 = arith.muli %scan3A_217, %mul3A_448 : i32
          %add3A_450 = arith.addi %mul3A_449, %add3A_447 : i32
          %broadcast_in_dim3A_451 = arith.constant 0.000000e+00 : f32
          %broadcast_in_dim3A_452 = vector.broadcast %broadcast_in_dim3A_451 : f32 to vector<16xf32>
          %get3A_453 = arith.index_cast %rem3A_192 : i32 to index
          %get3A_454 = arith.index_cast %add3A_450 : i32 to index
          %get3A_455 = arith.constant 0 : index
          %get3A_456 = tpu.vector_load %arg11[%get3A_453, %get3A_454, %get3A_455] {strides = array<i32>} : memref<3x64x128xf32, #tpu.memory_space<vmem>>, vector<16xf32>,
          %get3A_457 = arith.index_cast %rem3A_194 : i32 to index
          %get3A_458 = arith.index_cast %add3A_450 : i32 to index
          %get3A_459 = arith.constant 0 : index
          %get3A_460 = tpu.vector_load %arg12[%get3A_457, %get3A_458, %get3A_459] {strides = array<i32>} : memref<2x64x128xf32, #tpu.memory_space<vmem>>, vector<16xf32>,
          %sub3A_461 = arith.subf %get3A_456, %get3A_460 : vector<16xf32>
          %abs3A_462 = math.absf %sub3A_461 : vector<16xf32>
          %add3A_463 = arith.addf %broadcast_in_dim3A_452, %abs3A_462 : vector<16xf32>
          %get3A_464 = arith.index_cast %rem3A_192 : i32 to index
          %get3A_465 = arith.index_cast %add3A_450 : i32 to index
          %get3A_466 = arith.constant 16 : index
          %get3A_467 = tpu.vector_load %arg11[%get3A_464, %get3A_465, %get3A_466] {strides = array<i32>} : memref<3x64x128xf32, #tpu.memory_space<vmem>>, vector<16xf32>,
          %get3A_468 = arith.index_cast %rem3A_194 : i32 to index
          %get3A_469 = arith.index_cast %add3A_450 : i32 to index
          %get3A_470 = arith.constant 16 : index
          %get3A_471 = tpu.vector_load %arg12[%get3A_468, %get3A_469, %get3A_470] {strides = array<i32>} : memref<2x64x128xf32, #tpu.memory_space<vmem>>, vector<16xf32>,
          %sub3A_472 = arith.subf %get3A_467, %get3A_471 : vector<16xf32>
          %abs3A_473 = math.absf %sub3A_472 : vector<16xf32>
          %add3A_474 = arith.addf %add3A_463, %abs3A_473 : vector<16xf32>
          %get3A_475 = arith.index_cast %rem3A_192 : i32 to index
          %get3A_476 = arith.index_cast %add3A_450 : i32 to index
          %get3A_477 = arith.constant 32 : index
          %get3A_478 = tpu.vector_load %arg11[%get3A_475, %get3A_476, %get3A_477] {strides = array<i32>} : memref<3x64x128xf32, #tpu.memory_space<vmem>>, vector<16xf32>,
          %get3A_479 = arith.index_cast %rem3A_194 : i32 to index
          %get3A_480 = arith.index_cast %add3A_450 : i32 to index
          %get3A_481 = arith.constant 32 : index
          %get3A_482 = tpu.vector_load %arg12[%get3A_479, %get3A_480, %get3A_481] {strides = array<i32>} : memref<2x64x128xf32, #tpu.memory_space<vmem>>, vector<16xf32>,
          %sub3A_483 = arith.subf %get3A_478, %get3A_482 : vector<16xf32>
          %abs3A_484 = math.absf %sub3A_483 : vector<16xf32>
          %add3A_485 = arith.addf %add3A_474, %abs3A_484 : vector<16xf32>
          %get3A_486 = arith.index_cast %rem3A_192 : i32 to index
          %get3A_487 = arith.index_cast %add3A_450 : i32 to index
          %get3A_488 = arith.constant 48 : index
          %get3A_489 = tpu.vector_load %arg11[%get3A_486, %get3A_487, %get3A_488] {strides = array<i32>} : memref<3x64x128xf32, #tpu.memory_space<vmem>>, vector<16xf32>,
          %get3A_490 = arith.index_cast %rem3A_194 : i32 to index
          %get3A_491 = arith.index_cast %add3A_450 : i32 to index
          %get3A_492 = arith.constant 48 : index
          %get3A_493 = tpu.vector_load %arg12[%get3A_490, %get3A_491, %get3A_492] {strides = array<i32>} : memref<2x64x128xf32, #tpu.memory_space<vmem>>, vector<16xf32>,
          %sub3A_494 = arith.subf %get3A_489, %get3A_493 : vector<16xf32>
          %abs3A_495 = math.absf %sub3A_494 : vector<16xf32>
          %add3A_496 = arith.addf %add3A_485, %abs3A_495 : vector<16xf32>
          %get3A_497 = arith.index_cast %rem3A_192 : i32 to index
          %get3A_498 = arith.index_cast %add3A_450 : i32 to index
          %get3A_499 = arith.constant 64 : index
          %get3A_500 = tpu.vector_load %arg11[%get3A_497, %get3A_498, %get3A_499] {strides = array<i32>} : memref<3x64x128xf32, #tpu.memory_space<vmem>>, vector<16xf32>,
          %get3A_501 = arith.index_cast %rem3A_194 : i32 to index
          %get3A_502 = arith.index_cast %add3A_450 : i32 to index
          %get3A_503 = arith.constant 64 : index
          %get3A_504 = tpu.vector_load %arg12[%get3A_501, %get3A_502, %get3A_503] {strides = array<i32>} : memref<2x64x128xf32, #tpu.memory_space<vmem>>, vector<16xf32>,
          %sub3A_505 = arith.subf %get3A_500, %get3A_504 : vector<16xf32>
          %abs3A_506 = math.absf %sub3A_505 : vector<16xf32>
          %add3A_507 = arith.addf %add3A_496, %abs3A_506 : vector<16xf32>
          %get3A_508 = arith.index_cast %rem3A_192 : i32 to index
          %get3A_509 = arith.index_cast %add3A_450 : i32 to index
          %get3A_510 = arith.constant 80 : index
          %get3A_511 = tpu.vector_load %arg11[%get3A_508, %get3A_509, %get3A_510] {strides = array<i32>} : memref<3x64x128xf32, #tpu.memory_space<vmem>>, vector<16xf32>,
          %get3A_512 = arith.index_cast %rem3A_194 : i32 to index
          %get3A_513 = arith.index_cast %add3A_450 : i32 to index
          %get3A_514 = arith.constant 80 : index
          %get3A_515 = tpu.vector_load %arg12[%get3A_512, %get3A_513, %get3A_514] {strides = array<i32>} : memref<2x64x128xf32, #tpu.memory_space<vmem>>, vector<16xf32>,
          %sub3A_516 = arith.subf %get3A_511, %get3A_515 : vector<16xf32>
          %abs3A_517 = math.absf %sub3A_516 : vector<16xf32>
          %add3A_518 = arith.addf %add3A_507, %abs3A_517 : vector<16xf32>
          %get3A_519 = arith.index_cast %rem3A_192 : i32 to index
          %get3A_520 = arith.index_cast %add3A_450 : i32 to index
          %get3A_521 = arith.constant 96 : index
          %get3A_522 = tpu.vector_load %arg11[%get3A_519, %get3A_520, %get3A_521] {strides = array<i32>} : memref<3x64x128xf32, #tpu.memory_space<vmem>>, vector<16xf32>,
          %get3A_523 = arith.index_cast %rem3A_194 : i32 to index
          %get3A_524 = arith.index_cast %add3A_450 : i32 to index
          %get3A_525 = arith.constant 96 : index
          %get3A_526 = tpu.vector_load %arg12[%get3A_523, %get3A_524, %get3A_525] {strides = array<i32>} : memref<2x64x128xf32, #tpu.memory_space<vmem>>, vector<16xf32>,
          %sub3A_527 = arith.subf %get3A_522, %get3A_526 : vector<16xf32>
          %abs3A_528 = math.absf %sub3A_527 : vector<16xf32>
          %add3A_529 = arith.addf %add3A_518, %abs3A_528 : vector<16xf32>
          %get3A_530 = arith.index_cast %rem3A_192 : i32 to index
          %get3A_531 = arith.index_cast %add3A_450 : i32 to index
          %get3A_532 = arith.constant 112 : index
          %get3A_533 = tpu.vector_load %arg11[%get3A_530, %get3A_531, %get3A_532] {strides = array<i32>} : memref<3x64x128xf32, #tpu.memory_space<vmem>>, vector<16xf32>,
          %get3A_534 = arith.index_cast %rem3A_194 : i32 to index
          %get3A_535 = arith.index_cast %add3A_450 : i32 to index
          %get3A_536 = arith.constant 112 : index
          %get3A_537 = tpu.vector_load %arg12[%get3A_534, %get3A_535, %get3A_536] {strides = array<i32>} : memref<2x64x128xf32, #tpu.memory_space<vmem>>, vector<16xf32>,
          %sub3A_538 = arith.subf %get3A_533, %get3A_537 : vector<16xf32>
          %abs3A_539 = math.absf %sub3A_538 : vector<16xf32>
          %add3A_540 = arith.addf %add3A_529, %abs3A_539 : vector<16xf32>
          %reduce_sum3A_541 = arith.constant true
          %reduce_sum3A_542 = vector.broadcast %reduce_sum3A_541 : i1 to vector<16xi1>
          %reduce_sum3A_543 = tpu.scan <sum>, %add3A_540 masked %reduce_sum3A_542 : vector<16xf32>, vector<16xi1> -> vector<16xf32>
          %reduce_sum3A_544 = vector.extract %reduce_sum3A_543[15] : f32 from vector<16xf32>
          %sub3A_545 = arith.constant 1.200000e+01 : f32
          %sub3A_546 = arith.subf %sub3A_545, %reduce_sum3A_544 : f32
          %eq3A_547 = vector.broadcast %add3A_447 : i32 to vector<16xi32>
          %eq3A_548 = arith.cmpi eq, %iota3A, %eq3A_547 : vector<16xi32>
          %broadcast_in_dim3A_549 = vector.broadcast %sub3A_546 : f32 to vector<16xf32>
          %select_n3A_550 = arith.select %eq3A_548, %broadcast_in_dim3A_549, %select_n3A_443 : vector<16xi1>, vector<16xf32>
          %mul3A_551 = arith.constant 4 : i32
          %mul3A_552 = arith.muli %scan3A_234, %mul3A_551 : i32
          %add3A_553 = arith.constant 3 : i32
          %add3A_554 = arith.addi %mul3A_552, %add3A_553 : i32
          %mul3A_555 = arith.constant 16 : i32
          %mul3A_556 = arith.muli %scan3A_217, %mul3A_555 : i32
          %add3A_557 = arith.addi %mul3A_556, %add3A_554 : i32
          %broadcast_in_dim3A_558 = arith.constant 0.000000e+00 : f32
          %broadcast_in_dim3A_559 = vector.broadcast %broadcast_in_dim3A_558 : f32 to vector<16xf32>
          %get3A_560 = arith.index_cast %rem3A_192 : i32 to index
          %get3A_561 = arith.index_cast %add3A_557 : i32 to index
          %get3A_562 = arith.constant 0 : index
          %get3A_563 = tpu.vector_load %arg11[%get3A_560, %get3A_561, %get3A_562] {strides = array<i32>} : memref<3x64x128xf32, #tpu.memory_space<vmem>>, vector<16xf32>,
          %get3A_564 = arith.index_cast %rem3A_194 : i32 to index
          %get3A_565 = arith.index_cast %add3A_557 : i32 to index
          %get3A_566 = arith.constant 0 : index
          %get3A_567 = tpu.vector_load %arg12[%get3A_564, %get3A_565, %get3A_566] {strides = array<i32>} : memref<2x64x128xf32, #tpu.memory_space<vmem>>, vector<16xf32>,
          %sub3A_568 = arith.subf %get3A_563, %get3A_567 : vector<16xf32>
          %abs3A_569 = math.absf %sub3A_568 : vector<16xf32>
          %add3A_570 = arith.addf %broadcast_in_dim3A_559, %abs3A_569 : vector<16xf32>
          %get3A_571 = arith.index_cast %rem3A_192 : i32 to index
          %get3A_572 = arith.index_cast %add3A_557 : i32 to index
          %get3A_573 = arith.constant 16 : index
          %get3A_574 = tpu.vector_load %arg11[%get3A_571, %get3A_572, %get3A_573] {strides = array<i32>} : memref<3x64x128xf32, #tpu.memory_space<vmem>>, vector<16xf32>,
          %get3A_575 = arith.index_cast %rem3A_194 : i32 to index
          %get3A_576 = arith.index_cast %add3A_557 : i32 to index
          %get3A_577 = arith.constant 16 : index
          %get3A_578 = tpu.vector_load %arg12[%get3A_575, %get3A_576, %get3A_577] {strides = array<i32>} : memref<2x64x128xf32, #tpu.memory_space<vmem>>, vector<16xf32>,
          %sub3A_579 = arith.subf %get3A_574, %get3A_578 : vector<16xf32>
          %abs3A_580 = math.absf %sub3A_579 : vector<16xf32>
          %add3A_581 = arith.addf %add3A_570, %abs3A_580 : vector<16xf32>
          %get3A_582 = arith.index_cast %rem3A_192 : i32 to index
          %get3A_583 = arith.index_cast %add3A_557 : i32 to index
          %get3A_584 = arith.constant 32 : index
          %get3A_585 = tpu.vector_load %arg11[%get3A_582, %get3A_583, %get3A_584] {strides = array<i32>} : memref<3x64x128xf32, #tpu.memory_space<vmem>>, vector<16xf32>,
          %get3A_586 = arith.index_cast %rem3A_194 : i32 to index
          %get3A_587 = arith.index_cast %add3A_557 : i32 to index
          %get3A_588 = arith.constant 32 : index
          %get3A_589 = tpu.vector_load %arg12[%get3A_586, %get3A_587, %get3A_588] {strides = array<i32>} : memref<2x64x128xf32, #tpu.memory_space<vmem>>, vector<16xf32>,
          %sub3A_590 = arith.subf %get3A_585, %get3A_589 : vector<16xf32>
          %abs3A_591 = math.absf %sub3A_590 : vector<16xf32>
          %add3A_592 = arith.addf %add3A_581, %abs3A_591 : vector<16xf32>
          %get3A_593 = arith.index_cast %rem3A_192 : i32 to index
          %get3A_594 = arith.index_cast %add3A_557 : i32 to index
          %get3A_595 = arith.constant 48 : index
          %get3A_596 = tpu.vector_load %arg11[%get3A_593, %get3A_594, %get3A_595] {strides = array<i32>} : memref<3x64x128xf32, #tpu.memory_space<vmem>>, vector<16xf32>,
          %get3A_597 = arith.index_cast %rem3A_194 : i32 to index
          %get3A_598 = arith.index_cast %add3A_557 : i32 to index
          %get3A_599 = arith.constant 48 : index
          %get3A_600 = tpu.vector_load %arg12[%get3A_597, %get3A_598, %get3A_599] {strides = array<i32>} : memref<2x64x128xf32, #tpu.memory_space<vmem>>, vector<16xf32>,
          %sub3A_601 = arith.subf %get3A_596, %get3A_600 : vector<16xf32>
          %abs3A_602 = math.absf %sub3A_601 : vector<16xf32>
          %add3A_603 = arith.addf %add3A_592, %abs3A_602 : vector<16xf32>
          %get3A_604 = arith.index_cast %rem3A_192 : i32 to index
          %get3A_605 = arith.index_cast %add3A_557 : i32 to index
          %get3A_606 = arith.constant 64 : index
          %get3A_607 = tpu.vector_load %arg11[%get3A_604, %get3A_605, %get3A_606] {strides = array<i32>} : memref<3x64x128xf32, #tpu.memory_space<vmem>>, vector<16xf32>,
          %get3A_608 = arith.index_cast %rem3A_194 : i32 to index
          %get3A_609 = arith.index_cast %add3A_557 : i32 to index
          %get3A_610 = arith.constant 64 : index
          %get3A_611 = tpu.vector_load %arg12[%get3A_608, %get3A_609, %get3A_610] {strides = array<i32>} : memref<2x64x128xf32, #tpu.memory_space<vmem>>, vector<16xf32>,
          %sub3A_612 = arith.subf %get3A_607, %get3A_611 : vector<16xf32>
          %abs3A_613 = math.absf %sub3A_612 : vector<16xf32>
          %add3A_614 = arith.addf %add3A_603, %abs3A_613 : vector<16xf32>
          %get3A_615 = arith.index_cast %rem3A_192 : i32 to index
          %get3A_616 = arith.index_cast %add3A_557 : i32 to index
          %get3A_617 = arith.constant 80 : index
          %get3A_618 = tpu.vector_load %arg11[%get3A_615, %get3A_616, %get3A_617] {strides = array<i32>} : memref<3x64x128xf32, #tpu.memory_space<vmem>>, vector<16xf32>,
          %get3A_619 = arith.index_cast %rem3A_194 : i32 to index
          %get3A_620 = arith.index_cast %add3A_557 : i32 to index
          %get3A_621 = arith.constant 80 : index
          %get3A_622 = tpu.vector_load %arg12[%get3A_619, %get3A_620, %get3A_621] {strides = array<i32>} : memref<2x64x128xf32, #tpu.memory_space<vmem>>, vector<16xf32>,
          %sub3A_623 = arith.subf %get3A_618, %get3A_622 : vector<16xf32>
          %abs3A_624 = math.absf %sub3A_623 : vector<16xf32>
          %add3A_625 = arith.addf %add3A_614, %abs3A_624 : vector<16xf32>
          %get3A_626 = arith.index_cast %rem3A_192 : i32 to index
          %get3A_627 = arith.index_cast %add3A_557 : i32 to index
          %get3A_628 = arith.constant 96 : index
          %get3A_629 = tpu.vector_load %arg11[%get3A_626, %get3A_627, %get3A_628] {strides = array<i32>} : memref<3x64x128xf32, #tpu.memory_space<vmem>>, vector<16xf32>,
          %get3A_630 = arith.index_cast %rem3A_194 : i32 to index
          %get3A_631 = arith.index_cast %add3A_557 : i32 to index
          %get3A_632 = arith.constant 96 : index
          %get3A_633 = tpu.vector_load %arg12[%get3A_630, %get3A_631, %get3A_632] {strides = array<i32>} : memref<2x64x128xf32, #tpu.memory_space<vmem>>, vector<16xf32>,
          %sub3A_634 = arith.subf %get3A_629, %get3A_633 : vector<16xf32>
          %abs3A_635 = math.absf %sub3A_634 : vector<16xf32>
          %add3A_636 = arith.addf %add3A_625, %abs3A_635 : vector<16xf32>
          %get3A_637 = arith.index_cast %rem3A_192 : i32 to index
          %get3A_638 = arith.index_cast %add3A_557 : i32 to index
          %get3A_639 = arith.constant 112 : index
          %get3A_640 = tpu.vector_load %arg11[%get3A_637, %get3A_638, %get3A_639] {strides = array<i32>} : memref<3x64x128xf32, #tpu.memory_space<vmem>>, vector<16xf32>,
          %get3A_641 = arith.index_cast %rem3A_194 : i32 to index
          %get3A_642 = arith.index_cast %add3A_557 : i32 to index
          %get3A_643 = arith.constant 112 : index
          %get3A_644 = tpu.vector_load %arg12[%get3A_641, %get3A_642, %get3A_643] {strides = array<i32>} : memref<2x64x128xf32, #tpu.memory_space<vmem>>, vector<16xf32>,
          %sub3A_645 = arith.subf %get3A_640, %get3A_644 : vector<16xf32>
          %abs3A_646 = math.absf %sub3A_645 : vector<16xf32>
          %add3A_647 = arith.addf %add3A_636, %abs3A_646 : vector<16xf32>
          %reduce_sum3A_648 = arith.constant true
          %reduce_sum3A_649 = vector.broadcast %reduce_sum3A_648 : i1 to vector<16xi1>
          %reduce_sum3A_650 = tpu.scan <sum>, %add3A_647 masked %reduce_sum3A_649 : vector<16xf32>, vector<16xi1> -> vector<16xf32>
          %reduce_sum3A_651 = vector.extract %reduce_sum3A_650[15] : f32 from vector<16xf32>
          %sub3A_652 = arith.constant 1.200000e+01 : f32
          %sub3A_653 = arith.subf %sub3A_652, %reduce_sum3A_651 : f32
          %eq3A_654 = vector.broadcast %add3A_554 : i32 to vector<16xi32>
          %eq3A_655 = arith.cmpi eq, %iota3A, %eq3A_654 : vector<16xi32>
          %broadcast_in_dim3A_656 = vector.broadcast %sub3A_653 : f32 to vector<16xf32>
          %select_n3A_657 = arith.select %eq3A_655, %broadcast_in_dim3A_656, %select_n3A_550 : vector<16xi1>, vector<16xf32>
          scf.yield %select_n3A_657 : vector<16xf32>
        }
        %scan3A_225 = arith.constant 4 : i32
        %mul3A_226 = arith.constant 64 : i32
        %mul3A_227 = arith.muli %scan3A_155, %mul3A_226 : i32
        %mul3A_228 = arith.constant 16 : i32
        %mul3A_229 = arith.muli %scan3A_217, %mul3A_228 : i32
        %add3A_230 = arith.addi %mul3A_227, %mul3A_229 : i32
        %multiple_of3A_231 = tpu.assume_multiple %add3A_230, 16 : i32
        %swap3A = arith.index_cast %multiple_of3A_231 : i32 to index
        %swap3A_232 = tpu.vector_load %arg13[%swap3A] {strides = array<i32>} : memref<512xf32, #tpu.memory_space<vmem>>, vector<16xf32>,
        tpu.vector_store %arg13[%swap3A], %scan3A_224 {strides = array<i32>} : memref<512xf32, #tpu.memory_space<vmem>>, vector<16xf32>,
        %scan3A_233 = arith.constant 0 : i32
        scf.yield %scan3A_233 : i32
      }
      %scan3A_201 = arith.constant 4 : i32
      %add3A_202 = arith.constant 3 : i32
      %add3A_203 = arith.addi %scan3A_155, %add3A_202 : i32
      %lt3A_204 = arith.constant 8 : i32
      %lt3A_205 = arith.cmpi slt, %add3A_203, %lt3A_204 : i32
      %convert_element_type3A_206 = arith.extui %lt3A_205 : i1 to i32
      %cond3A_207 = arith.constant 0 : i32
      %cond3A_208 = arith.cmpi ne, %convert_element_type3A_206, %cond3A_207 : i32
      scf.if %cond3A_208 {
        %add3A_217 = arith.constant 3 : i32
        %add3A_218 = arith.addi %scan3A_155, %add3A_217 : i32
        %rem3A_219 = arith.constant 3 : i32
        %rem3A_220 = arith.remsi %add3A_218, %rem3A_219 : i32
        %mul3A_221 = arith.constant 64 : i32
        %mul3A_222 = arith.muli %add3A_218, %mul3A_221 : i32
        %multiple_of3A_223 = tpu.assume_multiple %mul3A_222, 64 : i32
        %dma_start3A_224 = arith.constant 0 : i32
        %dma_start3A_225 = arith.constant 0 : i32
        %dma_start3A_226 = tpu.memref_slice %arg11[%rem3A_220, %dma_start3A_224, %dma_start3A_225] : memref<3x64x128xf32, #tpu.memory_space<vmem>> -> memref<1x64x128xf32, #tpu.memory_space<vmem>>
        %dma_start3A_227 = tpu.memref_squeeze %dma_start3A_226 : memref<1x64x128xf32, #tpu.memory_space<vmem>> -> memref<64x128xf32, #tpu.memory_space<vmem>>
        %dma_start3A_228 = tpu.memref_slice %arg8[%multiple_of3A_223] : memref<512xi32, #tpu.memory_space<vmem>> -> memref<64xi32, #tpu.memory_space<vmem>>
        %dma_start3A_229 = arith.constant 0 : i32
        %dma_start3A_230 = arith.constant 0 : i32
        %dma_start3A_231 = tpu.memref_slice %arg5[%dma_start3A_229, %dma_start3A_230] : memref<1000000x128xf32, #tpu.memory_space<hbm>> -> memref<1000000x128xf32, #tpu.memory_space<hbm>>
        %dma_start3A_232 = tpu.memref_slice %arg14[%rem3A_220] : memref<3x!tpu.dma_semaphore, #tpu.memory_space<semaphore_mem>> -> memref<1x!tpu.dma_semaphore, #tpu.memory_space<semaphore_mem>>
        %dma_start3A_233 = tpu.memref_squeeze %dma_start3A_232 : memref<1x!tpu.dma_semaphore, #tpu.memory_space<semaphore_mem>> -> memref<!tpu.dma_semaphore, #tpu.memory_space<semaphore_mem>>
        tpu.enqueue_indirect_dma source(%dma_start3A_231 : memref<1000000x128xf32, #tpu.memory_space<hbm>>) target(%dma_start3A_227 : memref<64x128xf32, #tpu.memory_space<vmem>>) offsets(%dma_start3A_228 : memref<64xi32, #tpu.memory_space<vmem>>) semaphore(%dma_start3A_233 : memref<!tpu.dma_semaphore, #tpu.memory_space<semaphore_mem>>)
      } else {
      }
      %add3A_209 = arith.constant 2 : i32
      %add3A_210 = arith.addi %scan3A_155, %add3A_209 : i32
      %lt3A_211 = arith.constant 8 : i32
      %lt3A_212 = arith.cmpi slt, %add3A_210, %lt3A_211 : i32
      %convert_element_type3A_213 = arith.extui %lt3A_212 : i1 to i32
      %cond3A_214 = arith.constant 0 : i32
      %cond3A_215 = arith.cmpi ne, %convert_element_type3A_213, %cond3A_214 : i32
      scf.if %cond3A_215 {
        %add3A_217 = arith.constant 2 : i32
        %add3A_218 = arith.addi %scan3A_155, %add3A_217 : i32
        %rem3A_219 = arith.constant 2 : i32
        %rem3A_220 = arith.remsi %add3A_218, %rem3A_219 : i32
        %mul3A_221 = arith.constant 64 : i32
        %mul3A_222 = arith.muli %add3A_218, %mul3A_221 : i32
        %multiple_of3A_223 = tpu.assume_multiple %mul3A_222, 64 : i32
        %dma_start3A_224 = arith.constant 0 : i32
        %dma_start3A_225 = arith.constant 0 : i32
        %dma_start3A_226 = tpu.memref_slice %arg12[%rem3A_220, %dma_start3A_224, %dma_start3A_225] : memref<2x64x128xf32, #tpu.memory_space<vmem>> -> memref<1x64x128xf32, #tpu.memory_space<vmem>>
        %dma_start3A_227 = tpu.memref_squeeze %dma_start3A_226 : memref<1x64x128xf32, #tpu.memory_space<vmem>> -> memref<64x128xf32, #tpu.memory_space<vmem>>
        %dma_start3A_228 = tpu.memref_slice %arg10[%multiple_of3A_223] : memref<512xi32, #tpu.memory_space<vmem>> -> memref<64xi32, #tpu.memory_space<vmem>>
        %dma_start3A_229 = arith.constant 0 : i32
        %dma_start3A_230 = arith.constant 0 : i32
        %dma_start3A_231 = tpu.memref_slice %arg5[%dma_start3A_229, %dma_start3A_230] : memref<1000000x128xf32, #tpu.memory_space<hbm>> -> memref<1000000x128xf32, #tpu.memory_space<hbm>>
        %dma_start3A_232 = tpu.memref_slice %arg16[%rem3A_220] : memref<2x!tpu.dma_semaphore, #tpu.memory_space<semaphore_mem>> -> memref<1x!tpu.dma_semaphore, #tpu.memory_space<semaphore_mem>>
        %dma_start3A_233 = tpu.memref_squeeze %dma_start3A_232 : memref<1x!tpu.dma_semaphore, #tpu.memory_space<semaphore_mem>> -> memref<!tpu.dma_semaphore, #tpu.memory_space<semaphore_mem>>
        tpu.enqueue_indirect_dma source(%dma_start3A_231 : memref<1000000x128xf32, #tpu.memory_space<hbm>>) target(%dma_start3A_227 : memref<64x128xf32, #tpu.memory_space<vmem>>) offsets(%dma_start3A_228 : memref<64xi32, #tpu.memory_space<vmem>>) semaphore(%dma_start3A_233 : memref<!tpu.dma_semaphore, #tpu.memory_space<semaphore_mem>>)
      } else {
      }
      %scan3A_216 = arith.constant 0 : i32
      scf.yield %scan3A_216 : i32
    }
    %scan3A_154 = arith.constant 8 : i32
    "tpu.region"() ({
      %run_scoped3A = tpu.sem_alloc : memref<!tpu.dma_semaphore, #tpu.memory_space<semaphore_mem>>
      %dma_start3A_155 = tpu.memref_slice %arg7[%multiple_of3A] : memref<16384xf32, #tpu.memory_space<hbm>> -> memref<512xf32, #tpu.memory_space<hbm>>
      %dma_start3A_156 = tpu.memref_slice %arg7[%multiple_of3A] : memref<16384xf32, #tpu.memory_space<hbm>> -> memref<512xf32, #tpu.memory_space<hbm>>
      tpu.enqueue_dma source(%arg13 : memref<512xf32, #tpu.memory_space<vmem>>) target(%dma_start3A_156 : memref<512xf32, #tpu.memory_space<hbm>>) target_semaphore(%run_scoped3A : memref<!tpu.dma_semaphore, #tpu.memory_space<semaphore_mem>>)
      %dma_wait3A_157 = tpu.memref_slice %arg7[%multiple_of3A] : memref<16384xf32, #tpu.memory_space<hbm>> -> memref<512xf32, #tpu.memory_space<hbm>>
      %dma_wait3A_158 = tpu.memref_slice %arg7[%multiple_of3A] : memref<16384xf32, #tpu.memory_space<hbm>> -> memref<512xf32, #tpu.memory_space<hbm>>
      tpu.wait_dma2 semaphore(%run_scoped3A : memref<!tpu.dma_semaphore, #tpu.memory_space<semaphore_mem>>) src(%arg13 : memref<512xf32, #tpu.memory_space<vmem>>) dst(%dma_wait3A_158 : memref<512xf32, #tpu.memory_space<hbm>>)
      tpu.yield
    }) : () -> ()
    return
  }
}

</mosaic_0001>

<sc_bundles>
// kernel: _run.3.cloned.1.call-start
scs
__scs_entry_jumppad:
0x0: {  	(pc) =	sbr.rel $0x88, $3  }
0x1: {  	(tag) =	ssettag $0x0;
	lr =	simm.s32 $0x1  }
0x2: {  	[smem:$0x3F9C] =	sst lr;
	_ =	strace $0xD0000000  }
0x3: {  	_ = 	snop  }
0x4: {  	_ = 	snop  }
0x5: {  	_ = 	snop  }
0x6: {  	_ = 	snop  }
0x7: {  	_ = 	snop  }
__scs_overlays_trampoline_lowered:
0x8: {  	[smem:$0x3FAB] =	sst s0  }
0x9: {  	[smem:$0x3FAC] =	sst s1  }
0xa: {  	[smem:$0x3FAD] =	sst s2  }
0xb: {  	[smem:$0x3FAE] =	sst s3  }
0xc: {  	[smem:$0x3FAF] =	sst s4  }
0xd: {  	[smem:$0x3FB0] =	sst s5  }
0xe: {  	[smem:$0x3FB1] =	sst s6  }
0xf: {  	[smem:$0x3FB2] =	sst s7  }
0x10: {  	[smem:$0x3FB3] =	sst s8  }
0x11: {  	[smem:$0x3FB4] =	sst s9;
	s0 =	simm.s32 @!p0 $0x0  }
0x12: {  	s1 =	sld [smem:$0x3F9A];
	s0 =	simm.s32 @p0 $0x1  }
0x13: {  	[smem:$0x3FB5] =	sst s0;
	s0 =	simm.s32 @!p1 $0x0  }
0x14: {  	s2 =	sld [smem:$0x3F99];
	s0 =	simm.s32 @p1 $0x1  }
0x15: {  	[smem:$0x3FB6] =	sst s0;
	s0 =	simm.s32 @!p2 $0x0  }
0x16: {  	s3 =	sld [smem:$0x3FDB];
	s0 =	simm.s32 @p2 $0x1  }
0x17: {  	s4 =	simm.s32 $0x1BF5;
	[smem:$0x3FB8] =	sst s0  }
0x18: {  	s0 =	sld [smem:$0x3F9B];
	_ =	swait.ge [sflag:s4], $0x0  }
0x19: {  	s7 =	sld [smem:$0x3F9C]  }
0x1a: {  	s8 =	sadd.s32 $0xFFFFE003, lr  }
0x1b: {  	s9 =	sadd.s32 $0xFFFFFEF7, lr;
	s5 =	simm.s32 $0xFFFFFFFF;
	p2 =	slt.u32 s8, $0xFFFFF086  }
0x1c: {  	p1 =	slt.u32 s9, $0xF7A;
	s5 =	simm.s32 @!p2 $0x0  }
0x1d: {  	s5 =	simm.s32 @p1 $0x1;
	p0 =	seq.s32 s7, s2  }
0x1e: {  	s7 =	smul.u32 @!p0 $0xF7A, s2;
	p2 =	seq.s32 @!p0 s5, $0x0  }
0x1f: {  	s9 =	smul.u32 $0xF7A, s1;
	s8 =	simm.s32 @!p0 $0x1BF5;
	p2 =	por !p2, p0  }
0x20: {  	[sflag:s8] =	ssyncset.s32 @!p0 $0xFFFFF086;
	s6 =	sadd.s32 @!p0 s3, s7;
	s7 =	simm.s32 @!p0 $0x108  }
0x21: {  	s3 =	sadd.s32 s3, s9;
	s6 =	sadd.s32 @!p0 $0x88, s6;
	s7 =	simm.s32 @p2 $0x1082  }
0x22: {  	[simem:s7], [sflag:s8] =	dma.local @!p0 [hbm:s6], $0xF7A  }
0x23: {  	s9 =	sor.u32 $0xD0000000, s2;
	s6 =	simm.s32 $0x108;
	_ =	swait.ge @!p0 [sflag:s8], $0x0  }
0x24: {  	s3 =	sadd.s32 $0x88, s3;
	s6 =	simm.s32 @!p1 $0x1082;
	[sflag:s4] =	ssyncset.s32 $0xFFFFF086  }
0x25: {  	[simem:s6], [sflag:s4] =	dma.local [hbm:s3], $0xF7A  }
0x26: {  	[smem:$0x3F9C] =	sst s1;
	(tag) =	ssettag s2;
	_ =	strace s9  }
0x27: {  	s1 =	sld [smem:$0x3FAC]  }
0x28: {  	s2 =	sld [smem:$0x3FAD]  }
0x29: {  	s4 =	sld [smem:$0x3FAF]  }
0x2a: {  	p0 =	seq.s32 s5, $0x0;
	s5 =	sld [smem:$0x3FB0]  }
0x2b: {  	s6 =	sld [smem:$0x3FB1]  }
0x2c: {  	s7 =	sld [smem:$0x3FB2]  }
0x2d: {  	s3 =	simm.s32 $0x108;
	s8 =	sld [smem:$0x3FB3]  }
0x2e: {  	s3 =	simm.s32 @!p0 $0x1082;
	s9 =	sld [smem:$0x3FB4]  }
0x2f: {  	lr =	sadd.s32 s0, s3;
	s0 =	sld [smem:$0x3FAB]  }
0x30: {  	s3 =	sld [smem:$0x3FAE]  }
0x31: {  	[smem:$0x3FB7] =	sst s10  }
0x32: {  	s10 =	sld [smem:$0x3FB5];
	_ =	sdelay $0x3  }
0x33: {  	p0 =	seq.s32 s10, $0x1;
	s10 =	sld [smem:$0x3FB7];
	_ =	sdelay $0x3  }
0x34: {  	[smem:$0x3FB7] =	sst s10  }
0x35: {  	s10 =	sld [smem:$0x3FB6];
	_ =	sdelay $0x3  }
0x36: {  	p1 =	seq.s32 s10, $0x1;
	s10 =	sld [smem:$0x3FB7];
	_ =	sdelay $0x3  }
0x37: {  	[smem:$0x3FB7] =	sst s10  }
0x38: {  	s10 =	sld [smem:$0x3FB8]  }
0x39: {  	_ = 	snop;
	(pc) =	sbr.ind lr, $3  }
0x3a: {  	_ = 	snop  }
0x3b: {  	_ = 	snop  }
0x3c: {  	p2 =	seq.s32 s10, $0x1;
	s10 =	sld [smem:$0x3FB7]  }
0x3d: {  	_ =	shalt  }
0x3e: {  	_ =	shalt  }
0x3f: {  	_ =	shalt  }
0x40: {  	_ =	shalt  }
0x41: {  	_ =	shalt  }
0x42: {  	_ =	shalt  }
0x43: {  	_ =	shalt  }
0x44: {  	_ =	shalt  }
0x45: {  	_ =	shalt  }
0x46: {  	_ =	shalt  }
0x47: {  	_ =	shalt  }
0x48: {  	_ =	shalt  }
0x49: {  	_ =	shalt  }
0x4a: {  	_ =	shalt  }
0x4b: {  	_ =	shalt  }
0x4c: {  	_ =	shalt  }
0x4d: {  	_ =	shalt  }
0x4e: {  	_ =	shalt  }
0x4f: {  	_ =	shalt  }
0x50: {  	_ =	shalt  }
0x51: {  	_ =	shalt  }
0x52: {  	_ =	shalt  }
0x53: {  	_ =	shalt  }
0x54: {  	_ =	shalt  }
0x55: {  	_ =	shalt  }
0x56: {  	_ =	shalt  }
0x57: {  	_ =	shalt  }
0x58: {  	_ =	shalt  }
0x59: {  	_ =	shalt  }
0x5a: {  	_ =	shalt  }
0x5b: {  	_ =	shalt  }
0x5c: {  	_ =	shalt  }
0x5d: {  	_ =	shalt  }
0x5e: {  	_ =	shalt  }
0x5f: {  	_ =	shalt  }
0x60: {  	_ =	shalt  }
0x61: {  	_ =	shalt  }
0x62: {  	_ =	shalt  }
0x63: {  	_ =	shalt  }
0x64: {  	_ =	shalt  }
0x65: {  	_ =	shalt  }
0x66: {  	_ =	shalt  }
0x67: {  	_ =	shalt  }
0x68: {  	_ =	shalt  }
0x69: {  	_ =	shalt  }
0x6a: {  	_ =	shalt  }
0x6b: {  	_ =	shalt  }
0x6c: {  	_ =	shalt  }
0x6d: {  	_ =	shalt  }
0x6e: {  	_ =	shalt  }
0x6f: {  	_ =	shalt  }
0x70: {  	_ =	shalt  }
0x71: {  	_ =	shalt  }
0x72: {  	_ =	shalt  }
0x73: {  	_ =	shalt  }
0x74: {  	_ =	shalt  }
0x75: {  	_ =	shalt  }
0x76: {  	_ =	shalt  }
0x77: {  	_ =	shalt  }
0x78: {  	_ =	shalt  }
0x79: {  	_ =	shalt  }
0x7a: {  	_ =	shalt  }
0x7b: {  	_ =	shalt  }
0x7c: {  	_ =	shalt  }
0x7d: {  	_ =	shalt  }
0x7e: {  	_ =	shalt  }
0x7f: {  	_ =	shalt  }
0x80: {  	_ =	shalt  }
0x81: {  	_ =	shalt  }
0x82: {  	_ =	shalt  }
0x83: {  	_ =	shalt  }
0x84: {  	_ =	shalt  }
0x85: {  	_ =	shalt  }
0x86: {  	_ =	shalt  }
0x87: {  	_ =	shalt  }
.Lfunc_end0:
.L_simem_size_0:
called_computation_lowered:
.L_overlay_start_0:
0x88: {  	s2 =	sld [smem:$0x3FD9]  }
0x89: {  	s3 =	sld [smem:$0x3FFE];
	_ =	sdelay $0x1  }
0x8a: {  	s1 =	srdreg.scid  }
0x8b: {  	s0 =	sand.u32 $0x1, s1  }
0x8c: {  	s18 =	sshll.u32 s0, $0xA;
	s2 =	sadd.s32 s3, s2  }
0x8d: {  	s2 =	sadd.s32 s2, s18  }
0x8e: {  	[smem:$0x3FC3] =	sst s2  }
0x8f: {  	_ = 	snop  }
0x90: {  	s2 =	sld [smem:$0x3FC9]  }
0x91: {  	s19 =	sld [smem:$0x3FC8]  }
0x92: {  	s4 =	sld [smem:$0x3FC7]  }
0x93: {  	s5 =	sld [smem:$0x3FC6]  }
0x94: {  	s6 =	sld [smem:$0x3FC5]  }
0x95: {  	s7 =	sld [smem:$0x3FD0];
	(tm) =	ssettm $0x1  }
0x96: {  	s8 =	sld [smem:$0x3FFB];
	_ =	sdelay $0x3  }
0x97: {  	_ =	strace s8  }
0x98: {  	s8 =	sld [smem:$0x3FFC];
	_ =	sdelay $0x3  }
0x99: {  	_ =	strace s8  }
0x9a: {  	s8 =	sld [smem:$0x3FFD];
	_ =	sdelay $0x3  }
0x9b: {  	_ =	strace s8  }
0x9c: {  	_ =	strace $0x8FFFFFFF  }
0x9d: {  	s20 =	sld [smem:$0x3FDB];
	_ =	sdelay $0x1  }
0x9e: {  	s9 =	simm.s32 $_scs_section_size  }
0x9f: {  	s10 =	simm.s32 $_size__tile_overlayer_lowered;
	s11 =	simm.s32 $_tile_overlayer_lowered  }
0xa0: {  	s23 =	simm.s32 $0x1BFF;
	s22 =	sshll.u32 s11, $0x1;
	s8 =	sadd.s32 s9, s20  }
0xa1: {  	s12 =	simm.s32 $0x0;
	s21 =	sshll.u32 s10, $0x1;
	s10 =	sadd.s32 s22, s8  }
0xa2: {  	[timem:s12], [sflag:s23] =	dma.local [hbm:s10], s21  }
0xa3: {  	_ =	swait.ge [sflag:s23], s21  }
0xa4: {  	s9 =	ssub.s32 $0x0, s21;
	[sflag:s23] =	ssyncset.done $0x0  }
0xa5: {  	[sflag:s23] =	ssyncadd.s32 s9;
	_ =	sdelay $0x1  }
0xa6: {  	s24 =	simm.s32 $0x1B8B  }
0xa7: {  	_ =	swait.ge [sflag:s24], $0x1  }
0xa8: {  	[sflag:s24] =	ssyncset.done $0x0  }
0xa9: {  	s25 =	simm.s32 $0x1B8E;
	[sflag:s24] =	ssyncadd.s32 $0xFFFFFFFF  }
0xaa: {  	s26 =	simm.s32 $execute0_lowered;
	[smem:$0x3FD2] =	sst s25  }
0xab: {  	s9 =	sshll.u32 s26, $0x1;
	_ =	strace $0x80000046;
	[dreg:$0x1] =	wrdreg $0xFFFFFFFF  }
0xac: {  	s28 =	simm.s32 $_size_execute0_lowered;
	s8 =	sadd.s32 s8, s9;
	[dreg:$0x0] =	wrdreg $0x0  }
0xad: {  	s9 =	sshll.u32 s28, $0x1;
	[dreg:$0x2] =	wrdreg s8  }
0xae: {  	[dreg:$0x3] =	wrdreg s9  }
0xaf: {  	[dreg:$0x4] =	wrdreg $0xC0  }
0xb0: {  	_ =	task [dreg:s12], $0x5FFFF  }
0xb1: {  	[dreg:$0x1] =	wrdreg $0xFFFFFFFF  }
0xb2: {  	[dreg:$0x0] =	wrdreg $0x60  }
0xb3: {  	[dreg:$0x2] =	wrdreg s2  }
0xb4: {  	[dreg:$0x3] =	wrdreg s19  }
0xb5: {  	[dreg:$0x4] =	wrdreg s4  }
0xb6: {  	[dreg:$0x5] =	wrdreg s5  }
0xb7: {  	[dreg:$0x6] =	wrdreg s6  }
0xb8: {  	[dreg:$0x7] =	wrdreg s7  }
0xb9: {  	[dreg:$0x8] =	wrdreg $0x9  }
0xba: {  	_ =	task.clear_ibuf [dreg:s12], $0x9FFFF;
	_ =	strace $0x90000046  }
0xbb: {  	s29 =	simm.s32 $0x9;
	_ =	strace $0x80000048  }
0xbc: {  	_ =	swait.ge [sflag:s29], $0x1  }
0xbd: {  	[sflag:s29] =	ssyncadd.s32 $0xFFFFFFFF  }
0xbe: {  	_ =	strace $0x90000048  }
0xbf: {  	_ =	sfence  }
0xc0: {  	s30 =	sld [smem:$0x0];
	_ =	sdelay $0x2  }
0xc1: {  	s31 =	sshll.u32 s1, $0xD;
	s1 =	sshrl.u32 s1, $0x2  }
0xc2: {  	s3 =	sand.u32 $0x4000, s31;
	s1 =	sadd.s32 s1, s30  }
0xc3: {  	s0 =	sor.u32 s3, s0;
	s1 =	sshll.u32 s1, $0x11  }
0xc4: {  	s0 =	sor.u32 s1, s0  }
0xc5: {  	s0 =	sadd.s32 $0x8F2B, s0  }
0xc6: {  	[sflag:s0] =	ssyncadd.remote.s32 $0x1  }
0xc7: {  	_ =	sfence.sel $0xFFFF  }
0xc8: {  	[dreg:$0x0] =	wrdreg $0xFFFFFFFF;
	(pc) =	sbr.abs _section_cstart, $3  }
0xc9: {  	[dreg:$0x1] =	wrdreg $0xFFFFFFFF  }
0xca: {  	_ =	task.clear_ibuf [dreg:s12], $0x2FFFF;
	_ =	strace $0x9FFFFFFF  }
0xcb: {  	(tm) =	ssettm $0x7FFFFFFF  }
tec
execute0_lowered:
.L_overlay_start_1:
0x0: {  	(tag) =	ssettag $0x1  }
0x1: {  	s0 =	rddreg [dreg:$0x0]  }
0x2: {  	s3 =	rddreg [dreg:$0x1]  }
0x3: {  	s7 =	rddreg [dreg:$0x2]  }
0x4: {  	s1 =	rddreg [dreg:$0x3]  }
0x5: {  	s2 =	rddreg [dreg:$0x4]  }
0x6: {  	s8 =	rddreg [dreg:$0x5];
	s5 =	srdreg.scid  }
0x7: {  	s4 =	simm.s32 $0x0;
	s10 =	stileid.u32;
	s12 =	simm.s32 $0x9  }
0x8: {  	s13 =	simm.s32 $0x40;
	s17 =	simm.s32 $0xB;
	s21 =	simm.s32 $0xA  }
0x9: {  	s22 =	simm.s32 $0x1;
	s24 =	simm.s32 $0xC;
	s5 =	sand.u32 $0x1, s5  }
0xa: {  	s10 =	sshll.u32 s10, $0x7;
	s6 =	ssub.s32 $0x2, s5;
	s5 =	sshll.u32 s5, $0x6  }
.Ltmp0:
0xb: {  	[smem:$0x7FF] =	sst s4;
	s10 =	sor.u32 s5, s10;
	(pc) =	sbr.rel .LBB2_1-.Ltmp0, $4  }
0xc: {  	s25 =	simm.s32 $0x0;
	_ =	strace $0x80000047;
	s0 =	sadd.s32 s0, s10  }
0xd: {  	s9 =	sshrl.u32 s6, $0x1;
	s30 =	sadd.s32 s3, s10;
	[dreg:$0x7] =	wrdreg s0  }
0xe: {  	s9 =	ssub.s32 s6, s9;
	s31 =	sadd.s32 s7, s10;
	[dreg:$0x8] =	wrdreg s30  }
0xf: {  	v0 =	vlaneseq.u32;
	s8 =	sadd.s32 s8, s10;
	[dreg:$0x9] =	wrdreg s31;
	s9 =	smax.u32 s9, $0x1  }
.LBB2_11:
0x10: {  	s25 =	sadd.s32 $0x1, s25  }
0x11: {  	p0 =	sne.s32 s25, s9  }
.Ltmp1:
0x12: {  	s0 =	simm.s32 $0xA600;
	(pc) =	sbr.rel @!p0 .LBB2_12-.Ltmp1, $4  }
0x13: {  	[hbm4b:s8+s4] =	stream.linear.scatter [tilespmem:s0], [sflag:$0xC], $0x200, $0x38;
	[tilespmem:$0xA800] =	vst v63  }
0x14: {  	_ =	swait.ge [sflag:s24], $0x200  }
0x15: {  	[sflag:s24] =	ssyncset.done $0x0  }
0x16: {  	[sflag:s24] =	ssyncadd.s32 $0xFFFFFE00  }
.LBB2_1:
0x17: {  	s0 =	rddreg [dreg:$0x7]  }
0x18: {  	[tilespmem:s4], [sflag:$0x9] =	stream.linear.gather [hbm4b:s0+s4], $0x200, $0x38;
	[tilespmem:$0xA800] =	vst v63  }
0x19: {  	s18 =	rddreg [dreg:$0x8];
	s3 =	simm.s32 $0x200  }
0x1a: {  	[tilespmem:s3], [sflag:$0xA] =	stream.linear.gather [hbm4b:s18+s4], $0x200, $0x38;
	[tilespmem:$0xA800] =	vst v63  }
0x1b: {  	s19 =	rddreg [dreg:$0x9];
	s5 =	simm.s32 $0x400  }
0x1c: {  	[tilespmem:s5], [sflag:$0xB] =	stream.linear.gather [hbm4b:s19+s4], $0x200, $0x38;
	[tilespmem:$0xA800] =	vst v63  }
0x1d: {  	_ =	swait.ge [sflag:s12], $0x200  }
0x1e: {  	[sflag:s12] =	ssyncset.done $0x0  }
0x1f: {  	s26 =	simm.s32 $0x600;
	[sflag:s12] =	ssyncadd.s32 $0xFFFFFE00  }
0x20: {  	[tilespmem:s26], [sflag:$0x1] =	stream.indirect.gather [hbm4b:s1+s13], $0x80, s4, s13, $0xb8;
	[tilespmem:$0xA800] =	vst v63  }
0x21: {  	s20 =	simm.s32 $0x2600  }
0x22: {  	[tilespmem:s20], [sflag:$0x2] =	stream.indirect.gather [hbm4b:s1+s13], $0x80, s13, s13, $0xb8;
	[tilespmem:$0xA800] =	vst v63  }
0x23: {  	s23 =	simm.s32 $0x80;
	s6 =	simm.s32 $0x4600  }
0x24: {  	[tilespmem:s6], [sflag:$0x3] =	stream.indirect.gather [hbm4b:s1+s13], $0x80, s23, s13, $0xb8;
	[tilespmem:$0xA800] =	vst v63  }
0x25: {  	_ =	swait.ge [sflag:s17], $0x200  }
0x26: {  	[sflag:s17] =	ssyncset.done $0x0  }
0x27: {  	s29 =	simm.s32 $0x6600;
	[sflag:s17] =	ssyncadd.s32 $0xFFFFFE00  }
0x28: {  	[tilespmem:s29], [sflag:$0x7] =	stream.indirect.gather [hbm4b:s1+s13], $0x80, s5, s13, $0xb8;
	[tilespmem:$0xA800] =	vst v63  }
0x29: {  	s30 =	simm.s32 $0x440;
	s31 =	simm.s32 $0x8600  }
0x2a: {  	[tilespmem:s31], [sflag:$0x8] =	stream.indirect.gather [hbm4b:s1+s13], $0x80, s30, s13, $0xb8;
	[tilespmem:$0xA800] =	vst v63  }
0x2b: {  	_ =	swait.ge [sflag:s21], $0x200  }
0x2c: {  	[sflag:s21] =	ssyncset.done $0x0  }
.Ltmp2:
0x2d: {  	[sflag:s21] =	ssyncadd.s32 $0xFFFFFE00;
	(pc) =	sbr.rel .LBB2_2-.Ltmp2, $4  }
0x2e: {  	_ =	swait.ge [sflag:s22], $0x2000  }
0x2f: {  	[sflag:s22] =	ssyncset.done $0x0  }
0x30: {  	p0 =	por $0x0, $0x0;
	s28 =	simm.s32 $0x0;
	[sflag:s22] =	ssyncadd.s32 $0xFFFFE000  }
0x31: {  	[tilespmem:s26], [sflag:$0x4] =	stream.indirect.gather.add.f32 [hbm:s2], $0x80, s3, s13, $0xb8;
	[tilespmem:$0xA800] =	vst v63  }
.LBB2_7:
0x32: {  	s3 =	sadd.s32 $0x3, s29  }
0x33: {  	s5 =	smul.u32 $0xAB, s3;
	_ =	sdelay $0x1  }
0x34: {  	s5 =	sshrl.u32 s5, $0x9  }
0x35: {  	s5 =	sand.u32 $0x7F, s5  }
0x36: {  	s5 =	smul.u32 $0x3, s5;
	_ =	sdelay $0x1  }
0x37: {  	s5 =	ssub.s32 s3, s5  }
0x38: {  	s5 =	sand.u32 $0xFF, s5  }
0x39: {  	s3 =	sshll.u32 s3, $0x6;
	s6 =	sshll.u32 s5, $0xD  }
0x3a: {  	s3 =	sand.u32 $0x3FFFFFC0, s3;
	s5 =	sadd.s32 $0x1, s5;
	s6 =	sor.u32 $0x600, s6  }
0x3b: {  	[tilespmem:s6], [sflag:s5] =	stream.indirect.gather [hbm4b:s1+s13], $0x80, s3, s13, $0xb8;
	[tilespmem:$0xA800] =	vst v63  }
.LBB2_9:
0x3c: {  	s3 =	sadd.s32 $0x480, s31  }
0x3d: {  	[tilespmem:s0], [sflag:s30] =	stream.indirect.gather [hbm4b:s1+s13], $0x80, s3, s13, $0xb8;
	[tilespmem:$0xA800] =	vst v63  }
.LBB2_10:
0x3e: {  	p1 =	sne.s32 s28, $0x8  }
.Ltmp3:
0x3f: {  	_ = 	snop;
	(pc) =	sbr.rel @!p1 .LBB2_11-.Ltmp3, $2  }
0x40: {  	_ =	sdelay $0x2  }
0x41: {  	p0 =	por !p0, !p0;
	s26 =	sadd.s32 $0x2000, s26  }
.LBB2_2:
0x42: {  	s29 =	smov.u32 s28  }
0x43: {  	s28 =	sadd.s32 $0x1, s28;
	p1 =	seq.s32 s29, $0x7  }
0x44: {  	s0 =	smul.u32 @!p1 $0xAB, s28;
	_ =	sdelay $0x1  }
0x45: {  	s0 =	sshrl.u32 @!p1 s0, $0x9  }
0x46: {  	s0 =	sand.u32 @!p1 $0x7F, s0  }
0x47: {  	s0 =	smul.u32 @!p1 $0x3, s0;
	_ =	sdelay $0x1  }
0x48: {  	s10 =	smul.u32 $0xAB, s29;
	s0 =	ssub.s32 @!p1 s28, s0  }
0x49: {  	s0 =	sand.u32 @!p1 $0xFF, s0  }
0x4a: {  	s10 =	sshrl.u32 s10, $0x9;
	s3 =	sadd.s32 @!p1 $0x1, s0  }
0x4b: {  	s14 =	smulhi.u32 $0xAAAAAAAB, s29;
	s10 =	sand.u32 $0x7F, s10;
	_ =	swait.ge @!p1 [sflag:s3], $0x2000  }
0x4c: {  	s10 =	smul.u32 $0x3, s10;
	[sflag:s3] =	ssyncset.done @!p1 $0x0  }
0x4d: {  	s16 =	simm.s32 @!p1 $0x40;
	[sflag:s3] =	ssyncadd.s32 @!p1 $0xFFFFE000;
	s3 =	sshll.u32 @!p1 s28, $0x6  }
0x4e: {  	s11 =	ssub.s32 s29, s10;
	s15 =	sshll.u32 @!p1 s0, $0xD;
	s3 =	sand.u32 @!p1 $0x3FFFFFC0, s3  }
0x4f: {  	s0 =	sor.u32 @!p1 $0x4, s0;
	s15 =	sor.u32 @!p1 $0x600, s15;
	s3 =	sadd.s32 @!p1 $0x200, s3  }
0x50: {  	[tilespmem:s15], [sflag:s0] =	stream.indirect.gather.add.f32 @!p1 [hbm:s2], $0x80, s3, s16, $0xb8;
	[tilespmem:$0xA800] =	vst v63  }
0x51: {  	s18 =	sand.u32 $0x1, s29;
	s20 =	sshll.u32 s29, $0x8;
	s3 =	sor.u32 $0x4, s11  }
0x52: {  	s30 =	sadd.s32 $0x7, s18;
	s31 =	sshrl.u32 s20, $0x2;
	s3 =	sand.u32 $0xFF, s3  }
0x53: {  	s23 =	sshll.u32 s18, $0xD;
	s0 =	simm.s32 $0x1;
	_ =	swait.ge [sflag:s3], $0x2000  }
0x54: {  	s15 =	sshrl.u32 s14, $0x1;
	s0 =	simm.s32 @!p0 $0x0;
	[sflag:s3] =	ssyncset.done $0x0  }
0x55: {  	s14 =	smul.u32 $0xFFFE8000, s15;
	s0 =	sshll.u32 s0, $0xD;
	[sflag:s3] =	ssyncadd.s32 $0xFFFFE000  }
0x56: {  	s15 =	simm.s32 $0x0;
	s10 =	sadd.s32 $0x6700, s0;
	_ =	swait.ge [sflag:s30], $0x2000  }
0x57: {  	s16 =	sshra.s32 s14, $0x2;
	s3 =	sadd.s32 $0xA600, s31;
	[sflag:s30] =	ssyncset.done $0x0  }
0x58: {  	s0 =	sadd.s32 $0x6600, s23;
	s19 =	sadd.s32 s16, s26;
	v1 =	vmov s3;
	[sflag:s30] =	ssyncadd.s32 $0xFFFFE000  }
.LBB2_3:
0x59: {  	v2 =	vld [tilespmem:s19+$0x170]  }
0x5a: {  	v3 =	vld [tilespmem:s10+$0x70]  }
0x5b: {  	v4 =	vld [tilespmem:s19+$0xF0]  }
0x5c: {  	v5 =	vld [tilespmem:s10+$0xFFFFFFF0]  }
0x5d: {  	v6 =	vld [tilespmem:s19+$0x70]  }
0x5e: {  	v7 =	vld [tilespmem:s10+$0xFFFFFF70]  }
0x5f: {  	v8 =	vld [tilespmem:s19+$0x160]  }
0x60: {  	v10 =	vld [tilespmem:s10+$0x60]  }
0x61: {  	v12 =	vld [tilespmem:s19+$0xE0]  }
0x62: {  	v13 =	vld [tilespmem:s10+$0xFFFFFFE0]  }
0x63: {  	v14 =	vld [tilespmem:s19+$0x1D0]  }
0x64: {  	v15 =	vld [tilespmem:s10+$0xD0]  }
0x65: {  	v16 =	vld [tilespmem:s19+$0x60]  }
0x66: {  	v17 =	vld [tilespmem:s10+$0xFFFFFF60]  }
0x67: {  	v18 =	vld [tilespmem:s19+$0x150]  }
0x68: {  	v19 =	vld [tilespmem:s10+$0x50]  }
0x69: {  	v20 =	vld [tilespmem:s19+$0xD0]  }
0x6a: {  	v21 =	vld [tilespmem:s10+$0xFFFFFFD0]  }
0x6b: {  	v22 =	vld [tilespmem:s19+$0x1C0]  }
0x6c: {  	v23 =	vld [tilespmem:s10+$0xC0]  }
0x6d: {  	v24 =	vld [tilespmem:s19+$0x50]  }
0x6e: {  	v27 =	vld [tilespmem:s10+$0xFFFFFF50]  }
0x6f: {  	v28 =	vld [tilespmem:s19+$0x140]  }
0x70: {  	v29 =	vld [tilespmem:s10+$0x40]  }
0x71: {  	v30 =	vld [tilespmem:s19+$0xC0]  }
0x72: {  	v31 =	vld [tilespmem:s10+$0xFFFFFFC0]  }
0x73: {  	v32 =	vld [tilespmem:s19+$0x1B0]  }
0x74: {  	v33 =	vld [tilespmem:s10+$0xB0]  }
0x75: {  	v34 =	vld [tilespmem:s19+$0x40]  }
0x76: {  	v35 =	vld [tilespmem:s10+$0xFFFFFF40]  }
0x77: {  	v36 =	vld [tilespmem:s19+$0x130]  }
0x78: {  	v37 =	vld [tilespmem:s10+$0x30]  }
0x79: {  	v38 =	vld [tilespmem:s19+$0xB0]  }
0x7a: {  	v39 =	vld [tilespmem:s10+$0xFFFFFFB0]  }
0x7b: {  	v40 =	vld [tilespmem:s19+$0x1A0]  }
0x7c: {  	v41 =	vld [tilespmem:s10+$0xA0]  }
0x7d: {  	v42 =	vld [tilespmem:s19+$0x30]  }
0x7e: {  	v43 =	vld [tilespmem:s10+$0xFFFFFF30]  }
0x7f: {  	v44 =	vld [tilespmem:s19+$0x120]  }
0x80: {  	v45 =	vld [tilespmem:s10+$0x20]  }
0x81: {  	v46 =	vld [tilespmem:s19+$0xA0]  }
0x82: {  	v47 =	vld [tilespmem:s10+$0xFFFFFFA0]  }
0x83: {  	v48 =	vld [tilespmem:s19+$0x180]  }
0x84: {  	v49 =	vld [tilespmem:s10+$0x80]  }
0x85: {  	v50 =	vld [tilespmem:s19+$0x190]  }
0x86: {  	v51 =	vld [tilespmem:s10+$0x90]  }
0x87: {  	v52 =	vld [tilespmem:s19+$0x20]  }
0x88: {  	v53 =	vld [tilespmem:s10+$0xFFFFFF20]  }
0x89: {  	v54 =	vld [tilespmem:s19+$0x100]  }
0x8a: {  	v55 =	vld [tilespmem:s10+$0x0]  }
0x8b: {  	v56 =	vld [tilespmem:s19+$0x110];
	v4 =	vsub.f32 v4, v5;
	v9 =	vsub.f32 v2, v3  }
0x8c: {  	v57 =	vld [tilespmem:s10+$0xFFFFFF90];
	v3 =	vsub.f32 v6, v7;
	v11 =	vsub.f32 v8, v10  }
0x8d: {  	v62 =	vld [tilespmem:s19+$0x10];
	v25 =	vsub.f32 v12, v13;
	v5 =	vsub.f32 v14, v15  }
0x8e: {  	v63 =	vld [tilespmem:s10+$0xFFFFFF10];
	v6 =	vsub.f32 v16, v17;
	v12 =	vsub.f32 v18, v19  }
0x8f: {  	v2 =	vld [tilespmem:s10+$0x10];
	v26 =	vsub.f32 v20, v21;
	v7 =	vsub.f32 v22, v23  }
0x90: {  	v8 =	vld [tilespmem:s19+$0x80];
	v10 =	vsub.f32 v24, v27;
	v17 =	vsub.f32 v28, v29  }
0x91: {  	v13 =	vld [tilespmem:s10+$0xFFFFFF80];
	v16 =	vsub.f32 v30, v31;
	v14 =	vsub.f32 v32, v33  }
0x92: {  	v15 =	vld [tilespmem:s19+$0x90];
	v19 =	vsub.f32 v34, v35;
	v27 =	vsub.f32 v36, v37  }
0x93: {  	v29 =	vld [tilespmem:s19+$0x0];
	v18 =	vsub.f32 v38, v39;
	v23 =	vsub.f32 v40, v41  }
0x94: {  	v30 =	vld [tilespmem:s10+$0xFFFFFF00];
	v22 =	vsub.f32 v42, v43;
	v31 =	vsub.f32 v44, v45  }
0x95: {  	v28 =	vsub.f32 v46, v47;
	v20 =	vsub.f32 v48, v49  }
0x96: {  	v24 =	vsub.f32 v52, v53;
	v21 =	vsub.f32 v50, v51  }
0x97: {  	v34 =	vsub.f32 v54, v55;
	v35 =	vsub.f32 v56, v2  }
0x98: {  	s20 =	sadd.s32 $0x200, s19;
	s23 =	simm.s32 $0x4;
	s18 =	smov.u32 s10;
	v32 =	vsub.f32 v8, v13;
	v33 =	vsub.f32 v15, v57;
	v13 =	vld [tilespmem:s19+$0x1F0]  }
0x99: {  	s14 =	smov.u32 s19;
	s3 =	smov.u32 s10;
	s16 =	simm.s32 $0x0;
	v2 =	vimm.f32 $0.0e+00;
	v29 =	vsub.f32 v29, v30;
	v30 =	vsub.f32 v62, v63;
	v15 =	vld [tilespmem:s10+$0xF0]  }
.LBB2_4:
0x9a: {  	v8 =	vld [tilespmem:s20+$0x170];
	p1 =	sne.s32 s23, $0xC;
	v34 =	vand.u32 $0x7FFFFFFF, v34;
	v35 =	vand.u32 $0x7FFFFFFF, v35;
	v36 =	vand.u32 $0x7FFFFFFF, v9;
	s18 =	sadd.s32 $0x200, s18  }
0x9b: {  	v25 =	vand.u32 $0x7FFFFFFF, v25;
	v9 =	vld [tilespmem:s18+$0x70];
	v34 =	vadd.f32 v35, v34;
	v35 =	vand.u32 $0x7FFFFFFF, v11  }
0x9c: {  	v26 =	vand.u32 $0x7FFFFFFF, v26;
	v31 =	vand.u32 $0x7FFFFFFF, v31;
	v37 =	vand.u32 $0x7FFFFFFF, v12;
	v11 =	vld [tilespmem:s20+$0xF0]  }
0x9d: {  	v32 =	vand.u32 $0x7FFFFFFF, v32;
	v33 =	vand.u32 $0x7FFFFFFF, v33;
	v12 =	vld [tilespmem:s18+$0xFFFFFFF0];
	v31 =	vadd.f32 v31, v34  }
0x9e: {  	v27 =	vand.u32 $0x7FFFFFFF, v27;
	v32 =	vadd.f32 v33, v32;
	v33 =	vand.u32 $0x7FFFFFFF, v17;
	v34 =	vld [tilespmem:s14+$0x1E0];
	s14 =	smov.u32 s20  }
0x9f: {  	v17 =	vand.u32 $0x7FFFFFFF, v28;
	v28 =	vand.u32 $0x7FFFFFFF, v16;
	v27 =	vadd.f32 v27, v31;
	v31 =	vld [tilespmem:s3+$0xE0];
	s3 =	smov.u32 s18  }
0xa0: {  	v29 =	vand.u32 $0x7FFFFFFF, v29;
	v30 =	vand.u32 $0x7FFFFFFF, v30;
	v32 =	vadd.f32 v17, v32;
	v16 =	vld [tilespmem:s20+$0x70]  }
0xa1: {  	v29 =	vadd.f32 v30, v29;
	v30 =	vand.u32 $0x7FFFFFFF, v18;
	v17 =	vld [tilespmem:s18+$0xFFFFFF70];
	v27 =	vadd.f32 v33, v27  }
0xa2: {  	v24 =	vand.u32 $0x7FFFFFFF, v24;
	v30 =	vadd.f32 v30, v32;
	v32 =	vand.u32 $0x7FFFFFFF, v20;
	v18 =	vld [tilespmem:s20+$0x160]  }
0xa3: {  	v24 =	vadd.f32 v24, v29;
	v29 =	vand.u32 $0x7FFFFFFF, v21;
	v20 =	vld [tilespmem:s18+$0x60];
	v27 =	vadd.f32 v37, v27  }
0xa4: {  	v29 =	vadd.f32 v29, v32;
	v33 =	vand.u32 $0x7FFFFFFF, v22;
	v28 =	vadd.f32 v28, v30;
	v21 =	vld [tilespmem:s20+$0xE0]  }
0xa5: {  	v30 =	vand.u32 $0x7FFFFFFF, v23;
	v24 =	vadd.f32 v33, v24;
	v22 =	vld [tilespmem:s18+$0xFFFFFFE0];
	v27 =	vadd.f32 v35, v27  }
0xa6: {  	v32 =	vand.u32 $0x7FFFFFFF, v19;
	v26 =	vadd.f32 v26, v28;
	v28 =	vadd.f32 v30, v29;
	v23 =	vld [tilespmem:s20+$0x1D0]  }
0xa7: {  	v29 =	vand.u32 $0x7FFFFFFF, v14;
	v24 =	vadd.f32 v32, v24;
	v19 =	vld [tilespmem:s18+$0xD0];
	v27 =	vadd.f32 v36, v27  }
0xa8: {  	v30 =	vand.u32 $0x7FFFFFFF, v10;
	v25 =	vadd.f32 v25, v26;
	v26 =	vadd.f32 v29, v28;
	v14 =	vld [tilespmem:s20+$0x60]  }
0xa9: {  	v4 =	vand.u32 $0x7FFFFFFF, v4;
	v28 =	vadd.f32 v30, v24;
	v24 =	vand.u32 $0x7FFFFFFF, v7;
	v10 =	vld [tilespmem:s18+$0xFFFFFF60];
	(xrf2) =	vadd.scan.msk.f32 $0xffff, v27  }
0xaa: {  	v6 =	vand.u32 $0x7FFFFFFF, v6;
	v4 =	vadd.f32 v4, v25;
	v25 =	vadd.f32 v24, v26;
	v7 =	vld [tilespmem:s20+$0x150]  }
0xab: {  	v5 =	vand.u32 $0x7FFFFFFF, v5;
	v26 =	vsub.f32 v34, v31;
	v6 =	vadd.f32 v6, v28;
	v24 =	vld [tilespmem:s18+$0x50]  }
0xac: {  	v3 =	vand.u32 $0x7FFFFFFF, v3;
	v5 =	vadd.f32 v5, v25;
	v27 =	vld [tilespmem:s20+$0xD0];
	(xrf2) =	vadd.scan.msk.f32 $0xffff, v4  }
0xad: {  	v3 =	vadd.f32 v3, v6;
	v6 =	vsub.f32 v13, v15;
	v4 =	vand.u32 $0x7FFFFFFF, v26;
	v28 =	vld [tilespmem:s18+$0xFFFFFFD0]  }
0xae: {  	v4 =	vadd.f32 v4, v5;
	v13 =	vld [tilespmem:s20+$0x1C0]  }
0xaf: {  	v5 =	vand.u32 $0x7FFFFFFF, v6;
	v15 =	vld [tilespmem:s18+$0xC0];
	(xrf2) =	vadd.scan.msk.f32 $0xffff, v3  }
0xb0: {  	v4 =	vadd.f32 v5, v4;
	v29 =	vld [tilespmem:s20+$0x50]  }
0xb1: {  	v30 =	vld [tilespmem:s18+$0xFFFFFF50]  }
0xb2: {  	v31 =	vld [tilespmem:s20+$0x140];
	(xrf2) =	vadd.scan.msk.f32 $0xffff, v4  }
0xb3: {  	v32 =	vld [tilespmem:s18+$0x40];
	v3, _, _ =	vpop (xrf2)  }
0xb4: {  	v33 =	vld [tilespmem:s20+$0xC0]  }
0xb5: {  	v34 =	vld [tilespmem:s18+$0xFFFFFFC0]  }
0xb6: {  	v35 =	vld [tilespmem:s20+$0x1B0];
	v4, _, _ =	vpop (xrf2)  }
0xb7: {  	v36 =	vld [tilespmem:s18+$0xB0]  }
0xb8: {  	v37 =	vld [tilespmem:s20+$0x40]  }
0xb9: {  	v38 =	vld [tilespmem:s18+$0xFFFFFF40];
	v5, _, _ =	vpop (xrf2)  }
0xba: {  	v39 =	vld [tilespmem:s20+$0x130];
	(v2sf) =	vpush v5, $0xF  }
0xbb: {  	v40 =	vld [tilespmem:s18+$0x30];
	(v2sf) =	vpush v4, $0xF  }
0xbc: {  	v41 =	vld [tilespmem:s20+$0xB0];
	(v2sf) =	vpush v3, $0xF;
	v3, _, _ =	vpop (xrf2)  }
0xbd: {  	v42 =	vld [tilespmem:s18+$0xFFFFFFB0];
	(v2sf) =	vpush v3, $0xF  }
0xbe: {  	v43 =	vld [tilespmem:s20+$0x1A0]  }
0xbf: {  	v44 =	vld [tilespmem:s18+$0xA0]  }
0xc0: {  	v45 =	vld [tilespmem:s20+$0x30]  }
0xc1: {  	v46 =	vld [tilespmem:s18+$0xFFFFFF30]  }
0xc2: {  	v47 =	vld [tilespmem:s20+$0x120]  }
0xc3: {  	v48 =	vld [tilespmem:s18+$0x20]  }
0xc4: {  	v49 =	vld [tilespmem:s20+$0xA0]  }
0xc5: {  	v50 =	vld [tilespmem:s18+$0xFFFFFFA0]  }
0xc6: {  	v51 =	vld [tilespmem:s20+$0x180]  }
0xc7: {  	v52 =	vld [tilespmem:s18+$0x80]  }
0xc8: {  	v53 =	vld [tilespmem:s20+$0x190]  }
0xc9: {  	s11 =	sadd.s32 $0x3, s16;
	v54 =	vld [tilespmem:s18+$0x90];
	s5 =	spop (v2sf)  }
0xca: {  	s6 =	sadd.s32 $0x1, s16;
	v3 =	vmov s16;
	v55 =	vld [tilespmem:s20+$0x20];
	s5 =	ssub.f32 $1.200000000e+01, s5;
	s7 =	spop (v2sf)  }
0xcb: {  	v4 =	vmov s11;
	vm0 =	veq.s32 v3, v0;
	v3 =	vmov s6;
	s6 =	sadd.s32 $0x2, s16;
	v56 =	vld [tilespmem:s18+$0xFFFFFF20];
	s7 =	ssub.f32 $1.200000000e+01, s7;
	s11 =	spop (v2sf)  }
0xcc: {  	s16 =	smov.u32 s23;
	v57 =	vld [tilespmem:s20+$0x100];
	v2 =	vsel vm0, s5, v2;
	vm0 =	veq.s32 v3, v0;
	s5 =	ssub.f32 $1.200000000e+01, s11;
	v3 =	vmov s6;
	s6 =	spop (v2sf)  }
0xcd: {  	vm1 =	veq.s32 v4, v0;
	v58 =	vld [tilespmem:s18+$0x0];
	v2 =	vsel vm0, s7, v2;
	vm0 =	veq.s32 v3, v0;
	s6 =	ssub.f32 $1.200000000e+01, s6  }
0xce: {  	v9 =	vsub.f32 v8, v9;
	v4 =	vsub.f32 v11, v12;
	v59 =	vld [tilespmem:s20+$0x110];
	v2 =	vsel vm0, s5, v2  }
0xcf: {  	v11 =	vsub.f32 v18, v20;
	v3 =	vsub.f32 v16, v17;
	v8 =	vld [tilespmem:s18+$0x10];
	v2 =	vsel vm1, s6, v2  }
0xd0: {  	v25 =	vsub.f32 v21, v22;
	v5 =	vsub.f32 v23, v19;
	v60 =	vld [tilespmem:s20+$0x80]  }
0xd1: {  	v6 =	vsub.f32 v14, v10;
	v12 =	vsub.f32 v7, v24;
	v61 =	vld [tilespmem:s18+$0xFFFFFF80]  }
0xd2: {  	v26 =	vsub.f32 v27, v28;
	v7 =	vsub.f32 v13, v15;
	v62 =	vld [tilespmem:s20+$0x90]  }
0xd3: {  	v10 =	vsub.f32 v29, v30;
	v17 =	vsub.f32 v31, v32;
	v13 =	vld [tilespmem:s18+$0xFFFFFF90]  }
0xd4: {  	v14 =	vsub.f32 v35, v36;
	v16 =	vsub.f32 v33, v34;
	v15 =	vld [tilespmem:s20+$0x0]  }
0xd5: {  	v19 =	vsub.f32 v37, v38;
	v27 =	vsub.f32 v39, v40;
	v29 =	vld [tilespmem:s18+$0xFFFFFF00]  }
0xd6: {  	v18 =	vsub.f32 v41, v42;
	v23 =	vsub.f32 v43, v44;
	v30 =	vld [tilespmem:s20+$0x10]  }
0xd7: {  	v22 =	vsub.f32 v45, v46;
	v31 =	vsub.f32 v47, v48;
	v36 =	vld [tilespmem:s18+$0xFFFFFF10]  }
.Ltmp4:
0xd8: {  	v28 =	vsub.f32 v49, v50;
	v20 =	vsub.f32 v51, v52;
	(pc) =	sbr.rel @p1 .LBB2_4-.Ltmp4, $4  }
0xd9: {  	v21 =	vsub.f32 v53, v54;
	v24 =	vsub.f32 v55, v56  }
0xda: {  	v34 =	vsub.f32 v57, v58;
	v35 =	vsub.f32 v59, v8  }
0xdb: {  	v32 =	vsub.f32 v60, v61;
	v33 =	vsub.f32 v62, v13;
	v13 =	vld [tilespmem:s20+$0x1F0]  }
0xdc: {  	s23 =	sadd.s32 $0x4, s23;
	v29 =	vsub.f32 v15, v29;
	s20 =	sadd.s32 $0x200, s20;
	v30 =	vsub.f32 v30, v36;
	v15 =	vld [tilespmem:s18+$0xF0]  }
0xdd: {  	v8 =	vand.u32 $0x7FFFFFFF, v34  }
0xde: {  	v42 =	vand.u32 $0x7FFFFFFF, v35;
	v9 =	vand.u32 $0x7FFFFFFF, v9;
	v25 =	vand.u32 $0x7FFFFFFF, v25  }
0xdf: {  	v11 =	vand.u32 $0x7FFFFFFF, v11;
	v26 =	vand.u32 $0x7FFFFFFF, v26;
	v31 =	vand.u32 $0x7FFFFFFF, v31  }
0xe0: {  	v32 =	vand.u32 $0x7FFFFFFF, v32;
	v33 =	vand.u32 $0x7FFFFFFF, v33;
	v8 =	vadd.f32 v42, v8  }
0xe1: {  	v12 =	vand.u32 $0x7FFFFFFF, v12;
	v27 =	vand.u32 $0x7FFFFFFF, v27;
	v17 =	vand.u32 $0x7FFFFFFF, v17  }
0xe2: {  	v28 =	vand.u32 $0x7FFFFFFF, v28;
	v16 =	vand.u32 $0x7FFFFFFF, v16;
	v8 =	vadd.f32 v31, v8  }
0xe3: {  	v43 =	vadd.f32 v33, v32;
	v44 =	vand.u32 $0x7FFFFFFF, v29;
	v45 =	vand.u32 $0x7FFFFFFF, v30  }
0xe4: {  	v18 =	vand.u32 $0x7FFFFFFF, v18;
	v8 =	vadd.f32 v27, v8;
	v27 =	vadd.f32 v45, v44  }
0xe5: {  	v46 =	vand.u32 $0x7FFFFFFF, v24;
	v20 =	vand.u32 $0x7FFFFFFF, v20;
	v28 =	vadd.f32 v28, v43  }
0xe6: {  	v21 =	vand.u32 $0x7FFFFFFF, v21;
	v8 =	vadd.f32 v17, v8;
	v17 =	vadd.f32 v46, v27  }
0xe7: {  	v47 =	vand.u32 $0x7FFFFFFF, v22;
	v20 =	vadd.f32 v21, v20;
	v18 =	vadd.f32 v18, v28  }
0xe8: {  	v49 =	vand.u32 $0x7FFFFFFF, v23;
	v8 =	vadd.f32 v12, v8;
	v12 =	vadd.f32 v47, v17  }
0xe9: {  	v48 =	vld [tilespmem:s14+$0x1E0];
	v51 =	vand.u32 $0x7FFFFFFF, v19;
	v16 =	vadd.f32 v16, v18;
	v17 =	vadd.f32 v49, v20  }
0xea: {  	v50 =	vld [tilespmem:s3+$0xE0];
	v52 =	vand.u32 $0x7FFFFFFF, v14;
	v8 =	vadd.f32 v11, v8;
	v11 =	vadd.f32 v51, v12  }
0xeb: {  	v53 =	vand.u32 $0x7FFFFFFF, v10;
	v16 =	vadd.f32 v26, v16;
	v54 =	vadd.f32 v52, v17  }
0xec: {  	v7 =	vand.u32 $0x7FFFFFFF, v7;
	v8 =	vadd.f32 v9, v8;
	v9 =	vadd.f32 v53, v11  }
0xed: {  	v4 =	vand.u32 $0x7FFFFFFF, v4;
	v6 =	vand.u32 $0x7FFFFFFF, v6;
	v55 =	vadd.f32 v25, v16  }
0xee: {  	v5 =	vand.u32 $0x7FFFFFFF, v5;
	v7 =	vadd.f32 v7, v54;
	v6 =	vadd.f32 v6, v9  }
0xef: {  	v3 =	vand.u32 $0x7FFFFFFF, v3;
	v56 =	vsub.f32 v48, v50;
	v4 =	vadd.f32 v4, v55  }
0xf0: {  	v5 =	vadd.f32 v5, v7;
	(xrf2) =	vadd.scan.msk.f32 $0xffff, v8;
	v3 =	vadd.f32 v3, v6  }
0xf1: {  	v58 =	vsub.f32 v13, v15;
	v57 =	vand.u32 $0x7FFFFFFF, v56;
	(xrf2) =	vadd.scan.msk.f32 $0xffff, v4  }
0xf2: {  	v59 =	vadd.f32 v57, v5;
	(xrf2) =	vadd.scan.msk.f32 $0xffff, v3  }
0xf3: {  	v60 =	vand.u32 $0x7FFFFFFF, v58  }
0xf4: {  	v3 =	vadd.f32 v60, v59;
	_ =	sdelay $0x1  }
0xf5: {  	(xrf2) =	vadd.scan.msk.f32 $0xffff, v3;
	_ =	sdelay $0x3  }
0xf6: {  	v3, _, _ =	vpop (xrf2)  }
0xf7: {  	v61, _, _ =	vpop (xrf2)  }
0xf8: {  	v62, _, _ =	vpop (xrf2)  }
0xf9: {  	(v2sf) =	vpush v62, $0xF  }
0xfa: {  	(v2sf) =	vpush v61, $0xF  }
0xfb: {  	(v2sf) =	vpush v3, $0xF  }
0xfc: {  	v3, _, _ =	vpop (xrf2)  }
0xfd: {  	(v2sf) =	vpush v3, $0xF;
	_ =	sdelay $0xa  }
0xfe: {  	s5 =	sadd.s32 $0x1, s16;
	s14 =	sadd.s32 $0x2, s16;
	s11 =	spop (v2sf)  }
0xff: {  	s20 =	sshll.u32 s15, $0x4;
	s3 =	ssub.f32 $1.200000000e+01, s11;
	s6 =	spop (v2sf)  }
0x100: {  	s15 =	sadd.s32 $0x1, s15;
	v3 =	vmov s16;
	s6 =	ssub.f32 $1.200000000e+01, s6;
	s7 =	spop (v2sf)  }
0x101: {  	p1 =	sne.s32 s15, $0x4;
	vm0 =	veq.s32 v3, v0;
	v3 =	vmov s5;
	s11 =	sadd.s32 $0x3, s16;
	s16 =	ssub.f32 $1.200000000e+01, s7  }
.Ltmp5:
0x102: {  	vm14 =	veq.s32 v3, v0;
	v3 =	vmov s14;
	v2 =	vsel vm0, s3, v2;
	s18 =	spop (v2sf);
	(pc) =	sbr.rel @p1 .LBB2_3-.Ltmp5, $4  }
0x103: {  	vm15 =	veq.s32 v3, v0;
	v63 =	vmov s11;
	v2 =	vsel vm14, s6, v2;
	s5 =	ssub.f32 $1.200000000e+01, s18  }
0x104: {  	vm1 =	veq.s32 v63, v0;
	v2 =	vsel vm15, s16, v2  }
0x105: {  	s23 =	sand.u32 $0x3FFFFFF0, s20;
	v2 =	vsel vm1, s5, v2  }
0x106: {  	s10 =	sadd.s32 $0x800, s10;
	s19 =	sadd.s32 $0x800, s19;
	[tilespmem:v1+s23+$0x0 ss:$0x1] =	vst.idx.msk $0xffff, v2  }
0x107: {  	p1 =	sgt.u32 s29, $0x4  }
.Ltmp6:
0x108: {  	_ = 	snop;
	(pc) =	sbr.rel @!p1 .LBB2_7-.Ltmp6, $1  }
0x109: {  	_ =	sdelay $0x3  }
0x10a: {  	p1 =	sne.s32 s29, $0x5  }
.Ltmp7:
0x10b: {  	_ = 	snop;
	(pc) =	sbr.rel @p1 .LBB2_10-.Ltmp7, $4  }
.Ltmp8:
0x10c: {  	_ = 	snop;
	(pc) =	sbr.rel @!p1 .LBB2_9-.Ltmp8, $4  }
0x10d: {  	_ = 	snop  }
0x10e: {  	_ = 	snop  }
0x10f: {  	_ = 	snop  }
0x110: {  	_ = 	snop  }
.LBB2_12:
0x111: {  	_ =	sfence.sel $0x180000  }
0x112: {  	[bflag:$0x0] =	sbarrier.arrive $0xFFFF  }
0x113: {  	_ =	strace $0x90000047  }
0x114: {  	s0 =	stileid.u32;
	[bflag:$0x2] =	sbarrier.arrive $0xFFFF  }
0x115: {  	p0 =	sne.s32 s0, $0x0;
	s0 =	rddreg [dreg:$0x6]  }
0x116: {  	s0 =	sadd.s32 @!p0 $0x100000, s0  }
0x117: {  	[sflag:s0] =	ssyncadd.tile.s32 @!p0 $0x1;
	_ =	shalt  }
.Lfunc_end2:
_tile_overlayer_lowered:
.L_overlay_start_2:
0x118: {  	(tag) =	ssettag $0x2  }
0x119: {  	s0 =	rddreg [dreg:$0x0];
	s2 =	stileid.u32  }
0x11a: {  	s1 =	rddreg [dreg:$0x1];
	p0 =	sne.s32 s2, $0x0  }
0x11b: {  	s3 =	rddreg [dreg:$0x2];
	[bflag:$0x3] =	sbarrier.arrive $0xFFFF;
	s2 =	simm.s32 @!p0 $0x1C0C  }
0x11c: {  	[timem:s3], [sflag:s2] =	dma.local @!p0 [hbm:s0], s1  }
0x11d: {  	s0 =	simm.s32 @!p0 $0xC  }
0x11e: {  	_ =	swait.ge @!p0 [sflag:s0], s1  }
0x11f: {  	s1 =	ssub.s32 @!p0 $0x0, s1;
	[sflag:s0] =	ssyncset.done @!p0 $0x0  }
0x120: {  	[sflag:s0] =	ssyncadd.s32 @!p0 s1  }
0x121: {  	[bflag:$0x3] =	sbarrier.arrive $0xFFFF  }
0x122: {  	_ =	shalt  }

</sc_bundles>
